<compile_context>
chip_gen: v7x
topology: tpu7x:2x2x1
jax: 0.10.2.dev20260603
libtpu: 0.0.44.dev20260713+nightly
codegen_flags: <defaults>
</compile_context>

<pallas_src>
import functools

import jax
import jax.numpy as jnp
import numpy as np
from jax import lax
from jax.experimental import pallas as pl
from jax.experimental.pallas import tpu as pltpu
from jax.experimental.pallas import tpu_sc as plsc

_B = 16384
_F = 512
_BLK_ROWS = 512

_SC_ROWS = 3584
_NW = 32
_SC_ELEMS_W = _SC_ROWS * _F // _NW
_SC_CHUNKS = _SC_ELEMS_W // 16

_KS0 = np.uint32(0)
_KS1 = np.uint32(1)
_KS2 = np.uint32(0x1BD11BDA) ^ _KS0 ^ _KS1
_KS = (_KS0, _KS1, _KS2)
_ROTATIONS = ((13, 15, 26, 6), (17, 29, 16, 24))

_LO = np.float32(np.nextafter(np.float32(-1.0), np.float32(0.0)))

_ERFINV_COEF = (
    np.float32(-0.018726321), np.float32(0.05377644),
    np.float32(0.31786564), np.float32(-0.016997397),
    np.float32(1.259041),
)

_ERFINV_W_COEF = (
    np.float32(3.9184595e-08), np.float32(-1.2624944e-06),
    np.float32(3.1340858e-06), np.float32(0.00032718584),
    np.float32(-0.004842447), np.float32(0.018431418),
    np.float32(0.32697421), np.float32(1.2534769),
)

_MLOG_COEF = (
    np.float32(-0.03010224737226963), np.float32(0.28062915802001953),
    np.float32(-1.1047965288162231), np.float32(2.420793056488037),
    np.float32(-3.4982118606567383), np.float32(89.96135711669922),
)
_NEG_LN2 = np.float32(-np.log(2.0))


def _rotl(v, r):
    return (v << np.uint32(r)) | (v >> np.uint32(32 - r))


def _threefry2x32_xored(c1):
    x1 = c1
    x0 = x1
    x1 = _rotl(x1, 13) ^ x0
    for r in (15, 26, 6):
        x0 = x0 + x1
        x1 = _rotl(x1, r)
        x1 = x0 ^ x1
    x0 = x0 + _KS[1]
    x1 = x1 + (_KS[2] + np.uint32(1))
    for i in range(1, 5):
        for r in _ROTATIONS[i % 2]:
            x0 = x0 + x1
            x1 = _rotl(x1, r)
            x1 = x0 ^ x1
        if (i + 1) % 3 != 0:
            x0 = x0 + _KS[(i + 1) % 3]
        x1 = x1 + (_KS[(i + 2) % 3] + np.uint32(i + 1))
    return x0 ^ x1



def _bits_to_normal(bits):
    fb = pltpu.bitcast((bits >> np.uint32(9)) | np.uint32(0x40000000),
                       jnp.float32)
    x = jnp.maximum(_LO, fb - np.float32(3.0))
    t = jnp.sqrt(jnp.log(np.float32(1.0) - x * x) * np.float32(-1.0))
    p = _ERFINV_COEF[0]
    for c in _ERFINV_COEF[1:]:
        p = c + p * t
    return p * x


def _noise_kernel(y_ref, mu_ref, sg_ref, o_ref):
    j = pl.program_id(0) + np.uint32(_SC_ROWS // _BLK_ROWS)
    base1 = (j * np.uint32(_BLK_ROWS * _F) + np.uint32(1)).astype(jnp.uint32)
    row = jax.lax.broadcasted_iota(jnp.uint32, (_BLK_ROWS, _F), 0)
    col = jax.lax.broadcasted_iota(jnp.uint32, (_BLK_ROWS, _F), 1)
    c1 = base1 + row * np.uint32(_F) + col
    z = _bits_to_normal(_threefry2x32_xored(c1))
    scale = jnp.exp(sg_ref[...])
    o_ref[...] = y_ref[...] + (z * scale + mu_ref[...])


def _tc_call(y, mu, sg):
    off = _SC_ROWS // _BLK_ROWS
    return pl.pallas_call(
        _noise_kernel,
        grid=((_B - _SC_ROWS) // _BLK_ROWS,),
        in_specs=[
            pl.BlockSpec((_BLK_ROWS, _F), lambda j: (j + off, 0)),
            pl.BlockSpec((1, _F), lambda j: (0, 0)),
            pl.BlockSpec((1, _F), lambda j: (0, 0)),
        ],
        out_specs=pl.BlockSpec((_BLK_ROWS, _F), lambda j: (j + off, 0)),
        out_shape=jax.ShapeDtypeStruct((_B, _F), jnp.float32),
        compiler_params=pltpu.CompilerParams(
            dimension_semantics=("parallel",),
        ),
    )(y, mu, sg)



def _rotl_i32(v, r):
    return lax.shift_left(v, np.int32(r)) | lax.shift_right_logical(
        v, np.int32(32 - r))


def _threefry_xored_i32(c1):
    ks2 = np.int32(0x1BD11BDB)
    x1 = c1
    x0 = x1
    x1 = _rotl_i32(x1, 13) ^ x0
    for r in (15, 26, 6):
        x0 = x0 + x1
        x1 = _rotl_i32(x1, r)
        x1 = x0 ^ x1
    x0 = x0 + np.int32(1)
    x1 = x1 + (ks2 + np.int32(1))
    rot_groups = (
        ((17, 29, 16, 24), ks2, np.int32(2)),
        ((13, 15, 26, 6), None, np.int32(4)),
        ((17, 29, 16, 24), np.int32(1), ks2 + np.int32(4)),
        ((13, 15, 26, 6), ks2, np.int32(5)),
    )
    for rots, k0inj, k1inj in rot_groups:
        for r in rots:
            x0 = x0 + x1
            x1 = _rotl_i32(x1, r)
            x1 = x0 ^ x1
        if k0inj is not None:
            x0 = x0 + k0inj
        x1 = x1 + k1inj
    return x0 ^ x1


def _sc_bits_to_normal(bits):
    fb = lax.bitcast_convert_type(
        lax.shift_right_logical(bits, np.int32(9)) | np.int32(0x40000000),
        jnp.float32)
    x = jnp.maximum(_LO, fb - np.float32(3.0))
    u = np.float32(1.0) - x * x
    bu = lax.bitcast_convert_type(u, jnp.int32)
    e_f = lax.convert_element_type(
        lax.shift_right_logical(bu, np.int32(23)), jnp.float32)
    mf = lax.bitcast_convert_type(
        (bu & np.int32(0x007FFFFF)) | np.int32(0x3F800000), jnp.float32)
    q = _MLOG_COEF[0]
    for c in _MLOG_COEF[1:]:
        q = c + q * mf
    w = e_f * _NEG_LN2 + q
    p = _ERFINV_W_COEF[0]
    for c in _ERFINV_W_COEF[1:]:
        p = c + p * w
    return p * x


_SC_ROWS_W = _SC_ROWS // _NW


def _sc_noise_body(y_hbm, mu_hbm, sg_hbm, out_hbm, ybuf, mu_v, scale_v):
    wid = lax.axis_index("s") * 2 + lax.axis_index("c")
    row0 = wid * np.int32(_SC_ROWS_W)
    pltpu.sync_copy(y_hbm.at[pl.ds(row0, _SC_ROWS_W)], ybuf)
    pltpu.sync_copy(mu_hbm, mu_v)
    pltpu.sync_copy(sg_hbm, scale_v)

    def exp_body(k, carry):
        sl = pl.ds(k * 16, 16)
        scale_v[sl] = jnp.exp(scale_v[sl])
        return carry

    lax.fori_loop(0, _F // 16, exp_body, np.int32(0))

    lane = lax.iota(jnp.int32, 16)
    ebase = row0 * np.int32(_F)
    ncol = np.int32(_F // 16)

    def body(i, carry):
        c1 = lane + (ebase + i * np.int32(16) + np.int32(1))
        z = _sc_bits_to_normal(_threefry_xored_i32(c1))
        r = lax.div(i, ncol)
        col0 = lax.rem(i, ncol) * np.int32(16)
        csl = pl.ds(col0, 16)
        ybuf[r, csl] = ybuf[r, csl] + (z * scale_v[csl] + mu_v[csl])
        return carry

    lax.fori_loop(0, _SC_CHUNKS, body, np.int32(0))
    pltpu.sync_copy(ybuf, out_hbm.at[pl.ds(row0, _SC_ROWS_W)])


def _sc_call(y, mu_flat, sg_flat):
    mesh = plsc.VectorSubcoreMesh(core_axis_name="c", subcore_axis_name="s")
    run = functools.partial(
        pl.kernel,
        out_type=jax.ShapeDtypeStruct((_SC_ROWS, _F), jnp.float32),
        mesh=mesh,
        scratch_types=[
            pltpu.VMEM((_SC_ROWS_W, _F), jnp.float32),
            pltpu.VMEM((_F,), jnp.float32),
            pltpu.VMEM((_F,), jnp.float32),
        ],
    )(_sc_noise_body)
    return run(y, mu_flat, sg_flat)


def kernel(x, y, mean, sigma):
    del x
    out_sc = _sc_call(y, mean.reshape(_F), sigma.reshape(_F))
    out_tc = _tc_call(y, mean.reshape(1, _F), sigma.reshape(1, _F))
    return lax.dynamic_update_slice(out_tc, out_sc, (0, 0))

# --- scband reference (transcript-rebuilt; emitter-appended) ---
"""Pipeline reference for scband-categorical-gaussian-noise-generator-71786083385491 (READ-ONLY COPY).

The authoritative reference and input builder live on the scoring server;
editing this copy changes nothing except your own understanding.
"""

import jax, jax.numpy as jnp
import numpy as np

BATCH = 16384
N_FEATURES = 512
N_CLASSES = 1

def setup_inputs(seed: int = 0) -> dict:
    key = jax.random.key(seed)
    k1, k2 = jax.random.split(key)
    # x[:, 0] is ignored by the module; x[:, 1:] must be a one-hot class
    # indicator per row so masked_select+reshape is valid. With n_classes=1,
    # an all-ones x gives exactly one active class per row.
    x = jnp.ones((BATCH, N_CLASSES + 1), dtype=jnp.float32)
    y = jax.random.normal(k1, (BATCH, N_FEATURES), dtype=jnp.float32)
    # learned parameters, initialized exactly like the torch module
    mean = jnp.zeros((1, N_CLASSES, N_FEATURES), dtype=jnp.float32)
    sigma = -1.0 * jnp.ones((1, N_CLASSES, N_FEATURES), dtype=jnp.float32)
    return {"x": x, "y": y, "mean": mean, "sigma": sigma}

def reference(x, y, mean, sigma):
    # torch: mask = (x[:,1:].unsqueeze(2) > 0); masked_select(mean, mask).reshape(-1, F)
    # Since each row of x[:,1:] is one-hot, masked_select + reshape is exactly
    # a row gather of the parameter table by the active class index.
    cls = jnp.argmax(x[:, 1:] > 0, axis=1)          # [B] active class per row
    means = jnp.take(mean[0], cls, axis=0)          # [B, F] gather
    sigmas = jnp.take(sigma[0], cls, axis=0)        # [B, F] gather
    # torch.randn(y.shape[0], n_features) -> fixed-key normal draw in jax
    z = jax.random.normal(jax.random.key(1), (y.shape[0], means.shape[1]), dtype=y.dtype)
    z = z * jnp.exp(sigmas) + means
    return y + z

if __name__ == "__main__":
    import jax
    _d = setup_inputs()
    print(jax.jit(kernel)(*tuple(_d.values())))

</pallas_src>

<mosaic_0001>
#map = affine_map<(d0, d1) -> (0, 0)>
#map1 = affine_map<(d0, d1) -> (0)>
module attributes {stable_mosaic.version = 14 : i64} {
  func.func @_sc_noise_body(%arg0: i32, %arg1: i32, %arg2: memref<16384x512xf32, #tpu.memory_space<hbm>>, %arg3: memref<512xf32, #tpu.memory_space<hbm>>, %arg4: memref<512xf32, #tpu.memory_space<hbm>>, %arg5: memref<3584x512xf32, #tpu.memory_space<hbm>>, %arg6: memref<112x512xf32, #tpu.memory_space<vmem>>, %arg7: memref<512xf32, #tpu.memory_space<vmem>>, %arg8: memref<512xf32, #tpu.memory_space<vmem>>) attributes {dimension_semantics = [#tpu.dimension_semantics<core_parallel>, #tpu.dimension_semantics<subcore_parallel>], iteration_bounds = array<i64: 2, 16>, scalar_prefetch = 0 : i64, scratch_operands = 3 : i64, tpu.core_type = #tpu.core_type<sc_vector_subcore>, window_params = [{transform_indices = #map}, {transform_indices = #map1}, {transform_indices = #map1}, {transform_indices = #map}]} {
    %mul3A = arith.constant 2 : i32
    %mul3A_0 = arith.muli %arg1, %mul3A : i32
    %add3A = arith.addi %mul3A_0, %arg0 : i32
    %mul3A_1 = arith.constant 112 : i32
    %mul3A_2 = arith.muli %add3A, %mul3A_1 : i32
    "tpu.region"() ({
      %run_scoped3A = tpu.sem_alloc : memref<!tpu.dma_semaphore, #tpu.memory_space<semaphore_mem>>
      %dma_start3A = arith.constant 0 : i32
      %dma_start3A_16 = tpu.memref_slice %arg2[%mul3A_2, %dma_start3A] : memref<16384x512xf32, #tpu.memory_space<hbm>> -> memref<112x512xf32, #tpu.memory_space<hbm>>
      %dma_start3A_17 = arith.constant 0 : i32
      %dma_start3A_18 = tpu.memref_slice %arg2[%mul3A_2, %dma_start3A_17] : memref<16384x512xf32, #tpu.memory_space<hbm>> -> memref<112x512xf32, #tpu.memory_space<hbm>>
      tpu.enqueue_dma source(%dma_start3A_18 : memref<112x512xf32, #tpu.memory_space<hbm>>) target(%arg6 : memref<112x512xf32, #tpu.memory_space<vmem>>) target_semaphore(%run_scoped3A : memref<!tpu.dma_semaphore, #tpu.memory_space<semaphore_mem>>)
      %dma_wait3A = arith.constant 0 : i32
      %dma_wait3A_19 = tpu.memref_slice %arg2[%mul3A_2, %dma_wait3A] : memref<16384x512xf32, #tpu.memory_space<hbm>> -> memref<112x512xf32, #tpu.memory_space<hbm>>
      %dma_wait3A_20 = arith.constant 0 : i32
      %dma_wait3A_21 = tpu.memref_slice %arg2[%mul3A_2, %dma_wait3A_20] : memref<16384x512xf32, #tpu.memory_space<hbm>> -> memref<112x512xf32, #tpu.memory_space<hbm>>
      tpu.wait_dma2 semaphore(%run_scoped3A : memref<!tpu.dma_semaphore, #tpu.memory_space<semaphore_mem>>) src(%dma_wait3A_21 : memref<112x512xf32, #tpu.memory_space<hbm>>) dst(%arg6 : memref<112x512xf32, #tpu.memory_space<vmem>>)
      tpu.yield
    }) : () -> ()
    "tpu.region"() ({
      %run_scoped3A = tpu.sem_alloc : memref<!tpu.dma_semaphore, #tpu.memory_space<semaphore_mem>>
      tpu.enqueue_dma source(%arg3 : memref<512xf32, #tpu.memory_space<hbm>>) target(%arg7 : memref<512xf32, #tpu.memory_space<vmem>>) target_semaphore(%run_scoped3A : memref<!tpu.dma_semaphore, #tpu.memory_space<semaphore_mem>>)
      tpu.wait_dma2 semaphore(%run_scoped3A : memref<!tpu.dma_semaphore, #tpu.memory_space<semaphore_mem>>) src(%arg3 : memref<512xf32, #tpu.memory_space<hbm>>) dst(%arg7 : memref<512xf32, #tpu.memory_space<vmem>>)
      tpu.yield
    }) : () -> ()
    "tpu.region"() ({
      %run_scoped3A = tpu.sem_alloc : memref<!tpu.dma_semaphore, #tpu.memory_space<semaphore_mem>>
      tpu.enqueue_dma source(%arg4 : memref<512xf32, #tpu.memory_space<hbm>>) target(%arg8 : memref<512xf32, #tpu.memory_space<vmem>>) target_semaphore(%run_scoped3A : memref<!tpu.dma_semaphore, #tpu.memory_space<semaphore_mem>>)
      tpu.wait_dma2 semaphore(%run_scoped3A : memref<!tpu.dma_semaphore, #tpu.memory_space<semaphore_mem>>) src(%arg4 : memref<512xf32, #tpu.memory_space<hbm>>) dst(%arg8 : memref<512xf32, #tpu.memory_space<vmem>>)
      tpu.yield
    }) : () -> ()
    %scan3A = arith.constant 0 : i32
    %scan3A_3 = arith.constant 0 : i32
    %scan3A_4 = arith.constant 32 : i32
    %scan3A_5 = arith.addi %scan3A_3, %scan3A_4 : i32
    %scan3A_6 = arith.constant 1 : i32
    scf.for %scan3A_16 = %scan3A_3 to %scan3A_5 step %scan3A_6  : i32 {
      %mul3A_17 = arith.constant 16 : i32
      %mul3A_18 = arith.muli %scan3A_16, %mul3A_17 : i32
      %get3A = arith.index_cast %mul3A_18 : i32 to index
      %get3A_19 = tpu.vector_load %arg8[%get3A] {strides = array<i32>} : memref<512xf32, #tpu.memory_space<vmem>>, vector<16xf32>,
      %get3A_20 = vector.shape_cast %get3A_19 : vector<16xf32> to vector<16xf32>
      %exp3A = math.exp %get3A_20 : vector<16xf32>
      %swap3A = arith.index_cast %mul3A_18 : i32 to index
      %swap3A_21 = tpu.vector_load %arg8[%swap3A] {strides = array<i32>} : memref<512xf32, #tpu.memory_space<vmem>>, vector<16xf32>,
      %swap3A_22 = vector.shape_cast %swap3A_21 : vector<16xf32> to vector<16xf32>
      %swap3A_23 = vector.shape_cast %exp3A : vector<16xf32> to vector<16xf32>
      tpu.vector_store %arg8[%swap3A], %swap3A_23 {strides = array<i32>} : memref<512xf32, #tpu.memory_space<vmem>>, vector<16xf32>,
    }
    %scan3A_7 = arith.constant 32 : i32
    %iota3A = tpu.iota {dimensions = array<i32: 0>} : vector<16xi32>
    %mul3A_8 = arith.constant 512 : i32
    %mul3A_9 = arith.muli %mul3A_2, %mul3A_8 : i32
    %scan3A_10 = arith.constant 0 : i32
    %scan3A_11 = arith.constant 0 : i32
    %scan3A_12 = arith.constant 3584 : i32
    %scan3A_13 = arith.addi %scan3A_11, %scan3A_12 : i32
    %scan3A_14 = arith.constant 1 : i32
    scf.for %scan3A_16 = %scan3A_11 to %scan3A_13 step %scan3A_14  : i32 {
      %mul3A_17 = arith.constant 16 : i32
      %mul3A_18 = arith.muli %scan3A_16, %mul3A_17 : i32
      %add3A_19 = arith.addi %mul3A_9, %mul3A_18 : i32
      %add3A_20 = arith.constant 1 : i32
      %add3A_21 = arith.addi %add3A_19, %add3A_20 : i32
      %add3A_22 = vector.broadcast %add3A_21 : i32 to vector<16xi32>
      %add3A_23 = arith.addi %iota3A, %add3A_22 : vector<16xi32>
      %shift_left3A = arith.constant 13 : i32
      %shift_left3A_24 = vector.broadcast %shift_left3A : i32 to vector<16xi32>
      %shift_left3A_25 = arith.shli %add3A_23, %shift_left3A_24 : vector<16xi32>
      %shift_right_logical3A = arith.constant 19 : i32
      %shift_right_logical3A_26 = vector.broadcast %shift_right_logical3A : i32 to vector<16xi32>
      %shift_right_logical3A_27 = arith.shrui %add3A_23, %shift_right_logical3A_26 : vector<16xi32>
      %or3A = arith.ori %shift_left3A_25, %shift_right_logical3A_27 : vector<16xi32>
      %xor3A = arith.xori %or3A, %add3A_23 : vector<16xi32>
      %add3A_28 = arith.addi %add3A_23, %xor3A : vector<16xi32>
      %shift_left3A_29 = arith.constant 15 : i32
      %shift_left3A_30 = vector.broadcast %shift_left3A_29 : i32 to vector<16xi32>
      %shift_left3A_31 = arith.shli %xor3A, %shift_left3A_30 : vector<16xi32>
      %shift_right_logical3A_32 = arith.constant 17 : i32
      %shift_right_logical3A_33 = vector.broadcast %shift_right_logical3A_32 : i32 to vector<16xi32>
      %shift_right_logical3A_34 = arith.shrui %xor3A, %shift_right_logical3A_33 : vector<16xi32>
      %or3A_35 = arith.ori %shift_left3A_31, %shift_right_logical3A_34 : vector<16xi32>
      %xor3A_36 = arith.xori %add3A_28, %or3A_35 : vector<16xi32>
      %add3A_37 = arith.addi %add3A_28, %xor3A_36 : vector<16xi32>
      %shift_left3A_38 = arith.constant 26 : i32
      %shift_left3A_39 = vector.broadcast %shift_left3A_38 : i32 to vector<16xi32>
      %shift_left3A_40 = arith.shli %xor3A_36, %shift_left3A_39 : vector<16xi32>
      %shift_right_logical3A_41 = arith.constant 6 : i32
      %shift_right_logical3A_42 = vector.broadcast %shift_right_logical3A_41 : i32 to vector<16xi32>
      %shift_right_logical3A_43 = arith.shrui %xor3A_36, %shift_right_logical3A_42 : vector<16xi32>
      %or3A_44 = arith.ori %shift_left3A_40, %shift_right_logical3A_43 : vector<16xi32>
      %xor3A_45 = arith.xori %add3A_37, %or3A_44 : vector<16xi32>
      %add3A_46 = arith.addi %add3A_37, %xor3A_45 : vector<16xi32>
      %shift_left3A_47 = arith.constant 6 : i32
      %shift_left3A_48 = vector.broadcast %shift_left3A_47 : i32 to vector<16xi32>
      %shift_left3A_49 = arith.shli %xor3A_45, %shift_left3A_48 : vector<16xi32>
      %shift_right_logical3A_50 = arith.constant 26 : i32
      %shift_right_logical3A_51 = vector.broadcast %shift_right_logical3A_50 : i32 to vector<16xi32>
      %shift_right_logical3A_52 = arith.shrui %xor3A_45, %shift_right_logical3A_51 : vector<16xi32>
      %or3A_53 = arith.ori %shift_left3A_49, %shift_right_logical3A_52 : vector<16xi32>
      %xor3A_54 = arith.xori %add3A_46, %or3A_53 : vector<16xi32>
      %add3A_55 = arith.constant 1 : i32
      %add3A_56 = vector.broadcast %add3A_55 : i32 to vector<16xi32>
      %add3A_57 = arith.addi %add3A_46, %add3A_56 : vector<16xi32>
      %add3A_58 = arith.constant 466688988 : i32
      %add3A_59 = vector.broadcast %add3A_58 : i32 to vector<16xi32>
      %add3A_60 = arith.addi %xor3A_54, %add3A_59 : vector<16xi32>
      %add3A_61 = arith.addi %add3A_57, %add3A_60 : vector<16xi32>
      %shift_left3A_62 = arith.constant 17 : i32
      %shift_left3A_63 = vector.broadcast %shift_left3A_62 : i32 to vector<16xi32>
      %shift_left3A_64 = arith.shli %add3A_60, %shift_left3A_63 : vector<16xi32>
      %shift_right_logical3A_65 = arith.constant 15 : i32
      %shift_right_logical3A_66 = vector.broadcast %shift_right_logical3A_65 : i32 to vector<16xi32>
      %shift_right_logical3A_67 = arith.shrui %add3A_60, %shift_right_logical3A_66 : vector<16xi32>
      %or3A_68 = arith.ori %shift_left3A_64, %shift_right_logical3A_67 : vector<16xi32>
      %xor3A_69 = arith.xori %add3A_61, %or3A_68 : vector<16xi32>
      %add3A_70 = arith.addi %add3A_61, %xor3A_69 : vector<16xi32>
      %shift_left3A_71 = arith.constant 29 : i32
      %shift_left3A_72 = vector.broadcast %shift_left3A_71 : i32 to vector<16xi32>
      %shift_left3A_73 = arith.shli %xor3A_69, %shift_left3A_72 : vector<16xi32>
      %shift_right_logical3A_74 = arith.constant 3 : i32
      %shift_right_logical3A_75 = vector.broadcast %shift_right_logical3A_74 : i32 to vector<16xi32>
      %shift_right_logical3A_76 = arith.shrui %xor3A_69, %shift_right_logical3A_75 : vector<16xi32>
      %or3A_77 = arith.ori %shift_left3A_73, %shift_right_logical3A_76 : vector<16xi32>
      %xor3A_78 = arith.xori %add3A_70, %or3A_77 : vector<16xi32>
      %add3A_79 = arith.addi %add3A_70, %xor3A_78 : vector<16xi32>
      %shift_left3A_80 = arith.constant 16 : i32
      %shift_left3A_81 = vector.broadcast %shift_left3A_80 : i32 to vector<16xi32>
      %shift_left3A_82 = arith.shli %xor3A_78, %shift_left3A_81 : vector<16xi32>
      %shift_right_logical3A_83 = arith.constant 16 : i32
      %shift_right_logical3A_84 = vector.broadcast %shift_right_logical3A_83 : i32 to vector<16xi32>
      %shift_right_logical3A_85 = arith.shrui %xor3A_78, %shift_right_logical3A_84 : vector<16xi32>
      %or3A_86 = arith.ori %shift_left3A_82, %shift_right_logical3A_85 : vector<16xi32>
      %xor3A_87 = arith.xori %add3A_79, %or3A_86 : vector<16xi32>
      %add3A_88 = arith.addi %add3A_79, %xor3A_87 : vector<16xi32>
      %shift_left3A_89 = arith.constant 24 : i32
      %shift_left3A_90 = vector.broadcast %shift_left3A_89 : i32 to vector<16xi32>
      %shift_left3A_91 = arith.shli %xor3A_87, %shift_left3A_90 : vector<16xi32>
      %shift_right_logical3A_92 = arith.constant 8 : i32
      %shift_right_logical3A_93 = vector.broadcast %shift_right_logical3A_92 : i32 to vector<16xi32>
      %shift_right_logical3A_94 = arith.shrui %xor3A_87, %shift_right_logical3A_93 : vector<16xi32>
      %or3A_95 = arith.ori %shift_left3A_91, %shift_right_logical3A_94 : vector<16xi32>
      %xor3A_96 = arith.xori %add3A_88, %or3A_95 : vector<16xi32>
      %add3A_97 = arith.constant 466688987 : i32
      %add3A_98 = vector.broadcast %add3A_97 : i32 to vector<16xi32>
      %add3A_99 = arith.addi %add3A_88, %add3A_98 : vector<16xi32>
      %add3A_100 = arith.constant 2 : i32
      %add3A_101 = vector.broadcast %add3A_100 : i32 to vector<16xi32>
      %add3A_102 = arith.addi %xor3A_96, %add3A_101 : vector<16xi32>
      %add3A_103 = arith.addi %add3A_99, %add3A_102 : vector<16xi32>
      %shift_left3A_104 = arith.constant 13 : i32
      %shift_left3A_105 = vector.broadcast %shift_left3A_104 : i32 to vector<16xi32>
      %shift_left3A_106 = arith.shli %add3A_102, %shift_left3A_105 : vector<16xi32>
      %shift_right_logical3A_107 = arith.constant 19 : i32
      %shift_right_logical3A_108 = vector.broadcast %shift_right_logical3A_107 : i32 to vector<16xi32>
      %shift_right_logical3A_109 = arith.shrui %add3A_102, %shift_right_logical3A_108 : vector<16xi32>
      %or3A_110 = arith.ori %shift_left3A_106, %shift_right_logical3A_109 : vector<16xi32>
      %xor3A_111 = arith.xori %add3A_103, %or3A_110 : vector<16xi32>
      %add3A_112 = arith.addi %add3A_103, %xor3A_111 : vector<16xi32>
      %shift_left3A_113 = arith.constant 15 : i32
      %shift_left3A_114 = vector.broadcast %shift_left3A_113 : i32 to vector<16xi32>
      %shift_left3A_115 = arith.shli %xor3A_111, %shift_left3A_114 : vector<16xi32>
      %shift_right_logical3A_116 = arith.constant 17 : i32
      %shift_right_logical3A_117 = vector.broadcast %shift_right_logical3A_116 : i32 to vector<16xi32>
      %shift_right_logical3A_118 = arith.shrui %xor3A_111, %shift_right_logical3A_117 : vector<16xi32>
      %or3A_119 = arith.ori %shift_left3A_115, %shift_right_logical3A_118 : vector<16xi32>
      %xor3A_120 = arith.xori %add3A_112, %or3A_119 : vector<16xi32>
      %add3A_121 = arith.addi %add3A_112, %xor3A_120 : vector<16xi32>
      %shift_left3A_122 = arith.constant 26 : i32
      %shift_left3A_123 = vector.broadcast %shift_left3A_122 : i32 to vector<16xi32>
      %shift_left3A_124 = arith.shli %xor3A_120, %shift_left3A_123 : vector<16xi32>
      %shift_right_logical3A_125 = arith.constant 6 : i32
      %shift_right_logical3A_126 = vector.broadcast %shift_right_logical3A_125 : i32 to vector<16xi32>
      %shift_right_logical3A_127 = arith.shrui %xor3A_120, %shift_right_logical3A_126 : vector<16xi32>
      %or3A_128 = arith.ori %shift_left3A_124, %shift_right_logical3A_127 : vector<16xi32>
      %xor3A_129 = arith.xori %add3A_121, %or3A_128 : vector<16xi32>
      %add3A_130 = arith.addi %add3A_121, %xor3A_129 : vector<16xi32>
      %shift_left3A_131 = arith.constant 6 : i32
      %shift_left3A_132 = vector.broadcast %shift_left3A_131 : i32 to vector<16xi32>
      %shift_left3A_133 = arith.shli %xor3A_129, %shift_left3A_132 : vector<16xi32>
      %shift_right_logical3A_134 = arith.constant 26 : i32
      %shift_right_logical3A_135 = vector.broadcast %shift_right_logical3A_134 : i32 to vector<16xi32>
      %shift_right_logical3A_136 = arith.shrui %xor3A_129, %shift_right_logical3A_135 : vector<16xi32>
      %or3A_137 = arith.ori %shift_left3A_133, %shift_right_logical3A_136 : vector<16xi32>
      %xor3A_138 = arith.xori %add3A_130, %or3A_137 : vector<16xi32>
      %add3A_139 = arith.constant 4 : i32
      %add3A_140 = vector.broadcast %add3A_139 : i32 to vector<16xi32>
      %add3A_141 = arith.addi %xor3A_138, %add3A_140 : vector<16xi32>
      %add3A_142 = arith.addi %add3A_130, %add3A_141 : vector<16xi32>
      %shift_left3A_143 = arith.constant 17 : i32
      %shift_left3A_144 = vector.broadcast %shift_left3A_143 : i32 to vector<16xi32>
      %shift_left3A_145 = arith.shli %add3A_141, %shift_left3A_144 : vector<16xi32>
      %shift_right_logical3A_146 = arith.constant 15 : i32
      %shift_right_logical3A_147 = vector.broadcast %shift_right_logical3A_146 : i32 to vector<16xi32>
      %shift_right_logical3A_148 = arith.shrui %add3A_141, %shift_right_logical3A_147 : vector<16xi32>
      %or3A_149 = arith.ori %shift_left3A_145, %shift_right_logical3A_148 : vector<16xi32>
      %xor3A_150 = arith.xori %add3A_142, %or3A_149 : vector<16xi32>
      %add3A_151 = arith.addi %add3A_142, %xor3A_150 : vector<16xi32>
      %shift_left3A_152 = arith.constant 29 : i32
      %shift_left3A_153 = vector.broadcast %shift_left3A_152 : i32 to vector<16xi32>
      %shift_left3A_154 = arith.shli %xor3A_150, %shift_left3A_153 : vector<16xi32>
      %shift_right_logical3A_155 = arith.constant 3 : i32
      %shift_right_logical3A_156 = vector.broadcast %shift_right_logical3A_155 : i32 to vector<16xi32>
      %shift_right_logical3A_157 = arith.shrui %xor3A_150, %shift_right_logical3A_156 : vector<16xi32>
      %or3A_158 = arith.ori %shift_left3A_154, %shift_right_logical3A_157 : vector<16xi32>
      %xor3A_159 = arith.xori %add3A_151, %or3A_158 : vector<16xi32>
      %add3A_160 = arith.addi %add3A_151, %xor3A_159 : vector<16xi32>
      %shift_left3A_161 = arith.constant 16 : i32
      %shift_left3A_162 = vector.broadcast %shift_left3A_161 : i32 to vector<16xi32>
      %shift_left3A_163 = arith.shli %xor3A_159, %shift_left3A_162 : vector<16xi32>
      %shift_right_logical3A_164 = arith.constant 16 : i32
      %shift_right_logical3A_165 = vector.broadcast %shift_right_logical3A_164 : i32 to vector<16xi32>
      %shift_right_logical3A_166 = arith.shrui %xor3A_159, %shift_right_logical3A_165 : vector<16xi32>
      %or3A_167 = arith.ori %shift_left3A_163, %shift_right_logical3A_166 : vector<16xi32>
      %xor3A_168 = arith.xori %add3A_160, %or3A_167 : vector<16xi32>
      %add3A_169 = arith.addi %add3A_160, %xor3A_168 : vector<16xi32>
      %shift_left3A_170 = arith.constant 24 : i32
      %shift_left3A_171 = vector.broadcast %shift_left3A_170 : i32 to vector<16xi32>
      %shift_left3A_172 = arith.shli %xor3A_168, %shift_left3A_171 : vector<16xi32>
      %shift_right_logical3A_173 = arith.constant 8 : i32
      %shift_right_logical3A_174 = vector.broadcast %shift_right_logical3A_173 : i32 to vector<16xi32>
      %shift_right_logical3A_175 = arith.shrui %xor3A_168, %shift_right_logical3A_174 : vector<16xi32>
      %or3A_176 = arith.ori %shift_left3A_172, %shift_right_logical3A_175 : vector<16xi32>
      %xor3A_177 = arith.xori %add3A_169, %or3A_176 : vector<16xi32>
      %add3A_178 = arith.constant 1 : i32
      %add3A_179 = vector.broadcast %add3A_178 : i32 to vector<16xi32>
      %add3A_180 = arith.addi %add3A_169, %add3A_179 : vector<16xi32>
      %add3A_181 = arith.constant 466688991 : i32
      %add3A_182 = vector.broadcast %add3A_181 : i32 to vector<16xi32>
      %add3A_183 = arith.addi %xor3A_177, %add3A_182 : vector<16xi32>
      %add3A_184 = arith.addi %add3A_180, %add3A_183 : vector<16xi32>
      %shift_left3A_185 = arith.constant 13 : i32
      %shift_left3A_186 = vector.broadcast %shift_left3A_185 : i32 to vector<16xi32>
      %shift_left3A_187 = arith.shli %add3A_183, %shift_left3A_186 : vector<16xi32>
      %shift_right_logical3A_188 = arith.constant 19 : i32
      %shift_right_logical3A_189 = vector.broadcast %shift_right_logical3A_188 : i32 to vector<16xi32>
      %shift_right_logical3A_190 = arith.shrui %add3A_183, %shift_right_logical3A_189 : vector<16xi32>
      %or3A_191 = arith.ori %shift_left3A_187, %shift_right_logical3A_190 : vector<16xi32>
      %xor3A_192 = arith.xori %add3A_184, %or3A_191 : vector<16xi32>
      %add3A_193 = arith.addi %add3A_184, %xor3A_192 : vector<16xi32>
      %shift_left3A_194 = arith.constant 15 : i32
      %shift_left3A_195 = vector.broadcast %shift_left3A_194 : i32 to vector<16xi32>
      %shift_left3A_196 = arith.shli %xor3A_192, %shift_left3A_195 : vector<16xi32>
      %shift_right_logical3A_197 = arith.constant 17 : i32
      %shift_right_logical3A_198 = vector.broadcast %shift_right_logical3A_197 : i32 to vector<16xi32>
      %shift_right_logical3A_199 = arith.shrui %xor3A_192, %shift_right_logical3A_198 : vector<16xi32>
      %or3A_200 = arith.ori %shift_left3A_196, %shift_right_logical3A_199 : vector<16xi32>
      %xor3A_201 = arith.xori %add3A_193, %or3A_200 : vector<16xi32>
      %add3A_202 = arith.addi %add3A_193, %xor3A_201 : vector<16xi32>
      %shift_left3A_203 = arith.constant 26 : i32
      %shift_left3A_204 = vector.broadcast %shift_left3A_203 : i32 to vector<16xi32>
      %shift_left3A_205 = arith.shli %xor3A_201, %shift_left3A_204 : vector<16xi32>
      %shift_right_logical3A_206 = arith.constant 6 : i32
      %shift_right_logical3A_207 = vector.broadcast %shift_right_logical3A_206 : i32 to vector<16xi32>
      %shift_right_logical3A_208 = arith.shrui %xor3A_201, %shift_right_logical3A_207 : vector<16xi32>
      %or3A_209 = arith.ori %shift_left3A_205, %shift_right_logical3A_208 : vector<16xi32>
      %xor3A_210 = arith.xori %add3A_202, %or3A_209 : vector<16xi32>
      %add3A_211 = arith.addi %add3A_202, %xor3A_210 : vector<16xi32>
      %shift_left3A_212 = arith.constant 6 : i32
      %shift_left3A_213 = vector.broadcast %shift_left3A_212 : i32 to vector<16xi32>
      %shift_left3A_214 = arith.shli %xor3A_210, %shift_left3A_213 : vector<16xi32>
      %shift_right_logical3A_215 = arith.constant 26 : i32
      %shift_right_logical3A_216 = vector.broadcast %shift_right_logical3A_215 : i32 to vector<16xi32>
      %shift_right_logical3A_217 = arith.shrui %xor3A_210, %shift_right_logical3A_216 : vector<16xi32>
      %or3A_218 = arith.ori %shift_left3A_214, %shift_right_logical3A_217 : vector<16xi32>
      %xor3A_219 = arith.xori %add3A_211, %or3A_218 : vector<16xi32>
      %add3A_220 = arith.constant 466688987 : i32
      %add3A_221 = vector.broadcast %add3A_220 : i32 to vector<16xi32>
      %add3A_222 = arith.addi %add3A_211, %add3A_221 : vector<16xi32>
      %add3A_223 = arith.constant 5 : i32
      %add3A_224 = vector.broadcast %add3A_223 : i32 to vector<16xi32>
      %add3A_225 = arith.addi %xor3A_219, %add3A_224 : vector<16xi32>
      %xor3A_226 = arith.xori %add3A_222, %add3A_225 : vector<16xi32>
      %shift_right_logical3A_227 = arith.constant 9 : i32
      %shift_right_logical3A_228 = vector.broadcast %shift_right_logical3A_227 : i32 to vector<16xi32>
      %shift_right_logical3A_229 = arith.shrui %xor3A_226, %shift_right_logical3A_228 : vector<16xi32>
      %or3A_230 = arith.constant 1073741824 : i32
      %or3A_231 = vector.broadcast %or3A_230 : i32 to vector<16xi32>
      %or3A_232 = arith.ori %shift_right_logical3A_229, %or3A_231 : vector<16xi32>
      %bitcast_convert_type3A = tpu.bitcast %or3A_232 : vector<16xi32> -> vector<16xf32>
      %sub3A = arith.constant 3.000000e+00 : f32
      %sub3A_233 = vector.broadcast %sub3A : f32 to vector<16xf32>
      %sub3A_234 = arith.subf %bitcast_convert_type3A, %sub3A_233 : vector<16xf32>
      %max3A = arith.constant -0.99999994 : f32
      %max3A_235 = vector.broadcast %max3A : f32 to vector<16xf32>
      %max3A_236 = arith.maximumf %max3A_235, %sub3A_234 : vector<16xf32>
      %mul3A_237 = arith.mulf %max3A_236, %max3A_236 : vector<16xf32>
      %sub3A_238 = arith.constant 1.000000e+00 : f32
      %sub3A_239 = vector.broadcast %sub3A_238 : f32 to vector<16xf32>
      %sub3A_240 = arith.subf %sub3A_239, %mul3A_237 : vector<16xf32>
      %bitcast_convert_type3A_241 = tpu.bitcast %sub3A_240 : vector<16xf32> -> vector<16xi32>
      %shift_right_logical3A_242 = arith.constant 23 : i32
      %shift_right_logical3A_243 = vector.broadcast %shift_right_logical3A_242 : i32 to vector<16xi32>
      %shift_right_logical3A_244 = arith.shrui %bitcast_convert_type3A_241, %shift_right_logical3A_243 : vector<16xi32>
      %convert_element_type3A = arith.sitofp %shift_right_logical3A_244 : vector<16xi32> to vector<16xf32>
      %and3A = arith.constant 8388607 : i32
      %and3A_245 = vector.broadcast %and3A : i32 to vector<16xi32>
      %and3A_246 = arith.andi %bitcast_convert_type3A_241, %and3A_245 : vector<16xi32>
      %or3A_247 = arith.constant 1065353216 : i32
      %or3A_248 = vector.broadcast %or3A_247 : i32 to vector<16xi32>
      %or3A_249 = arith.ori %and3A_246, %or3A_248 : vector<16xi32>
      %bitcast_convert_type3A_250 = tpu.bitcast %or3A_249 : vector<16xi32> -> vector<16xf32>
      %mul3A_251 = arith.constant -0.0301022474 : f32
      %mul3A_252 = vector.broadcast %mul3A_251 : f32 to vector<16xf32>
      %mul3A_253 = arith.mulf %mul3A_252, %bitcast_convert_type3A_250 : vector<16xf32>
      %add3A_254 = arith.constant 0.280629158 : f32
      %add3A_255 = vector.broadcast %add3A_254 : f32 to vector<16xf32>
      %add3A_256 = arith.addf %add3A_255, %mul3A_253 : vector<16xf32>
      %mul3A_257 = arith.mulf %add3A_256, %bitcast_convert_type3A_250 : vector<16xf32>
      %add3A_258 = arith.constant -1.10479653 : f32
      %add3A_259 = vector.broadcast %add3A_258 : f32 to vector<16xf32>
      %add3A_260 = arith.addf %add3A_259, %mul3A_257 : vector<16xf32>
      %mul3A_261 = arith.mulf %add3A_260, %bitcast_convert_type3A_250 : vector<16xf32>
      %add3A_262 = arith.constant 2.42079306 : f32
      %add3A_263 = vector.broadcast %add3A_262 : f32 to vector<16xf32>
      %add3A_264 = arith.addf %add3A_263, %mul3A_261 : vector<16xf32>
      %mul3A_265 = arith.mulf %add3A_264, %bitcast_convert_type3A_250 : vector<16xf32>
      %add3A_266 = arith.constant -3.49821186 : f32
      %add3A_267 = vector.broadcast %add3A_266 : f32 to vector<16xf32>
      %add3A_268 = arith.addf %add3A_267, %mul3A_265 : vector<16xf32>
      %mul3A_269 = arith.mulf %add3A_268, %bitcast_convert_type3A_250 : vector<16xf32>
      %add3A_270 = arith.constant 89.9613571 : f32
      %add3A_271 = vector.broadcast %add3A_270 : f32 to vector<16xf32>
      %add3A_272 = arith.addf %add3A_271, %mul3A_269 : vector<16xf32>
      %mul3A_273 = arith.constant -0.693147182 : f32
      %mul3A_274 = vector.broadcast %mul3A_273 : f32 to vector<16xf32>
      %mul3A_275 = arith.mulf %convert_element_type3A, %mul3A_274 : vector<16xf32>
      %add3A_276 = arith.addf %mul3A_275, %add3A_272 : vector<16xf32>
      %mul3A_277 = arith.constant 3.91845951E-8 : f32
      %mul3A_278 = vector.broadcast %mul3A_277 : f32 to vector<16xf32>
      %mul3A_279 = arith.mulf %mul3A_278, %add3A_276 : vector<16xf32>
      %add3A_280 = arith.constant -1.26249438E-6 : f32
      %add3A_281 = vector.broadcast %add3A_280 : f32 to vector<16xf32>
      %add3A_282 = arith.addf %add3A_281, %mul3A_279 : vector<16xf32>
      %mul3A_283 = arith.mulf %add3A_282, %add3A_276 : vector<16xf32>
      %add3A_284 = arith.constant 3.13408577E-6 : f32
      %add3A_285 = vector.broadcast %add3A_284 : f32 to vector<16xf32>
      %add3A_286 = arith.addf %add3A_285, %mul3A_283 : vector<16xf32>
      %mul3A_287 = arith.mulf %add3A_286, %add3A_276 : vector<16xf32>
      %add3A_288 = arith.constant 3.27185844E-4 : f32
      %add3A_289 = vector.broadcast %add3A_288 : f32 to vector<16xf32>
      %add3A_290 = arith.addf %add3A_289, %mul3A_287 : vector<16xf32>
      %mul3A_291 = arith.mulf %add3A_290, %add3A_276 : vector<16xf32>
      %add3A_292 = arith.constant -0.00484244712 : f32
      %add3A_293 = vector.broadcast %add3A_292 : f32 to vector<16xf32>
      %add3A_294 = arith.addf %add3A_293, %mul3A_291 : vector<16xf32>
      %mul3A_295 = arith.mulf %add3A_294, %add3A_276 : vector<16xf32>
      %add3A_296 = arith.constant 0.0184314176 : f32
      %add3A_297 = vector.broadcast %add3A_296 : f32 to vector<16xf32>
      %add3A_298 = arith.addf %add3A_297, %mul3A_295 : vector<16xf32>
      %mul3A_299 = arith.mulf %add3A_298, %add3A_276 : vector<16xf32>
      %add3A_300 = arith.constant 0.326974213 : f32
      %add3A_301 = vector.broadcast %add3A_300 : f32 to vector<16xf32>
      %add3A_302 = arith.addf %add3A_301, %mul3A_299 : vector<16xf32>
      %mul3A_303 = arith.mulf %add3A_302, %add3A_276 : vector<16xf32>
      %add3A_304 = arith.constant 1.25347686 : f32
      %add3A_305 = vector.broadcast %add3A_304 : f32 to vector<16xf32>
      %add3A_306 = arith.addf %add3A_305, %mul3A_303 : vector<16xf32>
      %mul3A_307 = arith.mulf %add3A_306, %max3A_236 : vector<16xf32>
      %div3A = arith.constant 32 : i32
      %div3A_308 = arith.divsi %scan3A_16, %div3A : i32
      %rem3A = arith.constant 32 : i32
      %rem3A_309 = arith.remsi %scan3A_16, %rem3A : i32
      %mul3A_310 = arith.constant 16 : i32
      %mul3A_311 = arith.muli %rem3A_309, %mul3A_310 : i32
      %get3A = arith.index_cast %div3A_308 : i32 to index
      %get3A_312 = arith.index_cast %mul3A_311 : i32 to index
      %get3A_313 = tpu.vector_load %arg6[%get3A, %get3A_312] {strides = array<i32>} : memref<112x512xf32, #tpu.memory_space<vmem>>, vector<1x16xf32>,
      %get3A_314 = vector.shape_cast %get3A_313 : vector<1x16xf32> to vector<16xf32>
      %get3A_315 = arith.index_cast %mul3A_311 : i32 to index
      %get3A_316 = tpu.vector_load %arg8[%get3A_315] {strides = array<i32>} : memref<512xf32, #tpu.memory_space<vmem>>, vector<16xf32>,
      %get3A_317 = vector.shape_cast %get3A_316 : vector<16xf32> to vector<16xf32>
      %mul3A_318 = arith.mulf %mul3A_307, %get3A_317 : vector<16xf32>
      %get3A_319 = arith.index_cast %mul3A_311 : i32 to index
      %get3A_320 = tpu.vector_load %arg7[%get3A_319] {strides = array<i32>} : memref<512xf32, #tpu.memory_space<vmem>>, vector<16xf32>,
      %get3A_321 = vector.shape_cast %get3A_320 : vector<16xf32> to vector<16xf32>
      %add3A_322 = arith.addf %mul3A_318, %get3A_321 : vector<16xf32>
      %add3A_323 = arith.addf %get3A_314, %add3A_322 : vector<16xf32>
      %swap3A = arith.index_cast %div3A_308 : i32 to index
      %swap3A_324 = arith.index_cast %mul3A_311 : i32 to index
      %swap3A_325 = tpu.vector_load %arg6[%swap3A, %swap3A_324] {strides = array<i32>} : memref<112x512xf32, #tpu.memory_space<vmem>>, vector<1x16xf32>,
      %swap3A_326 = vector.shape_cast %swap3A_325 : vector<1x16xf32> to vector<16xf32>
      %swap3A_327 = vector.shape_cast %add3A_323 : vector<16xf32> to vector<1x16xf32>
      tpu.vector_store %arg6[%swap3A, %swap3A_324], %swap3A_327 {strides = array<i32>} : memref<112x512xf32, #tpu.memory_space<vmem>>, vector<1x16xf32>,
    }
    %scan3A_15 = arith.constant 3584 : i32
    "tpu.region"() ({
      %run_scoped3A = tpu.sem_alloc : memref<!tpu.dma_semaphore, #tpu.memory_space<semaphore_mem>>
      %dma_start3A = arith.constant 0 : i32
      %dma_start3A_16 = tpu.memref_slice %arg5[%mul3A_2, %dma_start3A] : memref<3584x512xf32, #tpu.memory_space<hbm>> -> memref<112x512xf32, #tpu.memory_space<hbm>>
      %dma_start3A_17 = arith.constant 0 : i32
      %dma_start3A_18 = tpu.memref_slice %arg5[%mul3A_2, %dma_start3A_17] : memref<3584x512xf32, #tpu.memory_space<hbm>> -> memref<112x512xf32, #tpu.memory_space<hbm>>
      tpu.enqueue_dma source(%arg6 : memref<112x512xf32, #tpu.memory_space<vmem>>) target(%dma_start3A_18 : memref<112x512xf32, #tpu.memory_space<hbm>>) target_semaphore(%run_scoped3A : memref<!tpu.dma_semaphore, #tpu.memory_space<semaphore_mem>>)
      %dma_wait3A = arith.constant 0 : i32
      %dma_wait3A_19 = tpu.memref_slice %arg5[%mul3A_2, %dma_wait3A] : memref<3584x512xf32, #tpu.memory_space<hbm>> -> memref<112x512xf32, #tpu.memory_space<hbm>>
      %dma_wait3A_20 = arith.constant 0 : i32
      %dma_wait3A_21 = tpu.memref_slice %arg5[%mul3A_2, %dma_wait3A_20] : memref<3584x512xf32, #tpu.memory_space<hbm>> -> memref<112x512xf32, #tpu.memory_space<hbm>>
      tpu.wait_dma2 semaphore(%run_scoped3A : memref<!tpu.dma_semaphore, #tpu.memory_space<semaphore_mem>>) src(%arg6 : memref<112x512xf32, #tpu.memory_space<vmem>>) dst(%dma_wait3A_21 : memref<112x512xf32, #tpu.memory_space<hbm>>)
      tpu.yield
    }) : () -> ()
    return
  }
}

module attributes {stable_mosaic.version = 14 : i64} {
  func.func @_noise_kernel(%arg0: i32, %arg1: memref<512x512xf32, #tpu.memory_space<vmem>>, %arg2: memref<1x512xf32, #tpu.memory_space<vmem>>, %arg3: memref<1x512xf32, #tpu.memory_space<vmem>>, %arg4: memref<512x512xf32, #tpu.memory_space<vmem>>) attributes {dimension_semantics = [#tpu.dimension_semantics<parallel>], iteration_bounds = array<i64: 25>, scalar_prefetch = 0 : i64, scratch_operands = 0 : i64, tpu.core_type = #tpu.core_type<tc>, window_params = [{transform_indices = @transform_0, window_bounds = array<i64: 512, 512>}, {pipeline_mode = #tpu.pipeline_mode<synchronous>, transform_indices = @transform_1, window_bounds = array<i64: 1, 512>}, {pipeline_mode = #tpu.pipeline_mode<synchronous>, transform_indices = @transform_2, window_bounds = array<i64: 1, 512>}, {transform_indices = @transform_3, window_bounds = array<i64: 512, 512>}]} {
    %add3A = arith.constant 7 : i32
    %add3A_0 = arith.addi %arg0, %add3A : i32
    %mul3A = arith.constant 262144 : i32
    %mul3A_1 = arith.muli %add3A_0, %mul3A : i32
    %add3A_2 = arith.constant 1 : i32
    %add3A_3 = arith.addi %mul3A_1, %add3A_2 : i32
    %iota3A = tpu.iota {dimensions = array<i32: 0>} : vector<512x512xi32>
    %iota3A_4 = tpu.iota {dimensions = array<i32: 1>} : vector<512x512xi32>
    %mul3A_5 = arith.constant 512 : i32
    %mul3A_6 = vector.broadcast %mul3A_5 : i32 to vector<512x512xi32>
    %mul3A_7 = arith.muli %iota3A, %mul3A_6 : vector<512x512xi32>
    %add3A_8 = vector.broadcast %add3A_3 : i32 to vector<512x512xi32>
    %add3A_9 = arith.addi %add3A_8, %mul3A_7 : vector<512x512xi32>
    %add3A_10 = arith.addi %add3A_9, %iota3A_4 : vector<512x512xi32>
    %shift_left3A = arith.constant 13 : i32
    %shift_left3A_11 = vector.broadcast %shift_left3A : i32 to vector<512x512xi32>
    %shift_left3A_12 = arith.shli %add3A_10, %shift_left3A_11 : vector<512x512xi32>
    %shift_right_logical3A = arith.constant 19 : i32
    %shift_right_logical3A_13 = vector.broadcast %shift_right_logical3A : i32 to vector<512x512xi32>
    %shift_right_logical3A_14 = arith.shrui %add3A_10, %shift_right_logical3A_13 : vector<512x512xi32>
    %or3A = arith.ori %shift_left3A_12, %shift_right_logical3A_14 : vector<512x512xi32>
    %xor3A = arith.xori %or3A, %add3A_10 : vector<512x512xi32>
    %add3A_15 = arith.addi %add3A_10, %xor3A : vector<512x512xi32>
    %shift_left3A_16 = arith.constant 15 : i32
    %shift_left3A_17 = vector.broadcast %shift_left3A_16 : i32 to vector<512x512xi32>
    %shift_left3A_18 = arith.shli %xor3A, %shift_left3A_17 : vector<512x512xi32>
    %shift_right_logical3A_19 = arith.constant 17 : i32
    %shift_right_logical3A_20 = vector.broadcast %shift_right_logical3A_19 : i32 to vector<512x512xi32>
    %shift_right_logical3A_21 = arith.shrui %xor3A, %shift_right_logical3A_20 : vector<512x512xi32>
    %or3A_22 = arith.ori %shift_left3A_18, %shift_right_logical3A_21 : vector<512x512xi32>
    %xor3A_23 = arith.xori %add3A_15, %or3A_22 : vector<512x512xi32>
    %add3A_24 = arith.addi %add3A_15, %xor3A_23 : vector<512x512xi32>
    %shift_left3A_25 = arith.constant 26 : i32
    %shift_left3A_26 = vector.broadcast %shift_left3A_25 : i32 to vector<512x512xi32>
    %shift_left3A_27 = arith.shli %xor3A_23, %shift_left3A_26 : vector<512x512xi32>
    %shift_right_logical3A_28 = arith.constant 6 : i32
    %shift_right_logical3A_29 = vector.broadcast %shift_right_logical3A_28 : i32 to vector<512x512xi32>
    %shift_right_logical3A_30 = arith.shrui %xor3A_23, %shift_right_logical3A_29 : vector<512x512xi32>
    %or3A_31 = arith.ori %shift_left3A_27, %shift_right_logical3A_30 : vector<512x512xi32>
    %xor3A_32 = arith.xori %add3A_24, %or3A_31 : vector<512x512xi32>
    %add3A_33 = arith.addi %add3A_24, %xor3A_32 : vector<512x512xi32>
    %shift_left3A_34 = arith.constant 6 : i32
    %shift_left3A_35 = vector.broadcast %shift_left3A_34 : i32 to vector<512x512xi32>
    %shift_left3A_36 = arith.shli %xor3A_32, %shift_left3A_35 : vector<512x512xi32>
    %shift_right_logical3A_37 = arith.constant 26 : i32
    %shift_right_logical3A_38 = vector.broadcast %shift_right_logical3A_37 : i32 to vector<512x512xi32>
    %shift_right_logical3A_39 = arith.shrui %xor3A_32, %shift_right_logical3A_38 : vector<512x512xi32>
    %or3A_40 = arith.ori %shift_left3A_36, %shift_right_logical3A_39 : vector<512x512xi32>
    %xor3A_41 = arith.xori %add3A_33, %or3A_40 : vector<512x512xi32>
    %add3A_42 = arith.constant 1 : i32
    %add3A_43 = vector.broadcast %add3A_42 : i32 to vector<512x512xi32>
    %add3A_44 = arith.addi %add3A_33, %add3A_43 : vector<512x512xi32>
    %add3A_45 = arith.constant 466688988 : i32
    %add3A_46 = vector.broadcast %add3A_45 : i32 to vector<512x512xi32>
    %add3A_47 = arith.addi %xor3A_41, %add3A_46 : vector<512x512xi32>
    %add3A_48 = arith.addi %add3A_44, %add3A_47 : vector<512x512xi32>
    %shift_left3A_49 = arith.constant 17 : i32
    %shift_left3A_50 = vector.broadcast %shift_left3A_49 : i32 to vector<512x512xi32>
    %shift_left3A_51 = arith.shli %add3A_47, %shift_left3A_50 : vector<512x512xi32>
    %shift_right_logical3A_52 = arith.constant 15 : i32
    %shift_right_logical3A_53 = vector.broadcast %shift_right_logical3A_52 : i32 to vector<512x512xi32>
    %shift_right_logical3A_54 = arith.shrui %add3A_47, %shift_right_logical3A_53 : vector<512x512xi32>
    %or3A_55 = arith.ori %shift_left3A_51, %shift_right_logical3A_54 : vector<512x512xi32>
    %xor3A_56 = arith.xori %add3A_48, %or3A_55 : vector<512x512xi32>
    %add3A_57 = arith.addi %add3A_48, %xor3A_56 : vector<512x512xi32>
    %shift_left3A_58 = arith.constant 29 : i32
    %shift_left3A_59 = vector.broadcast %shift_left3A_58 : i32 to vector<512x512xi32>
    %shift_left3A_60 = arith.shli %xor3A_56, %shift_left3A_59 : vector<512x512xi32>
    %shift_right_logical3A_61 = arith.constant 3 : i32
    %shift_right_logical3A_62 = vector.broadcast %shift_right_logical3A_61 : i32 to vector<512x512xi32>
    %shift_right_logical3A_63 = arith.shrui %xor3A_56, %shift_right_logical3A_62 : vector<512x512xi32>
    %or3A_64 = arith.ori %shift_left3A_60, %shift_right_logical3A_63 : vector<512x512xi32>
    %xor3A_65 = arith.xori %add3A_57, %or3A_64 : vector<512x512xi32>
    %add3A_66 = arith.addi %add3A_57, %xor3A_65 : vector<512x512xi32>
    %shift_left3A_67 = arith.constant 16 : i32
    %shift_left3A_68 = vector.broadcast %shift_left3A_67 : i32 to vector<512x512xi32>
    %shift_left3A_69 = arith.shli %xor3A_65, %shift_left3A_68 : vector<512x512xi32>
    %shift_right_logical3A_70 = arith.constant 16 : i32
    %shift_right_logical3A_71 = vector.broadcast %shift_right_logical3A_70 : i32 to vector<512x512xi32>
    %shift_right_logical3A_72 = arith.shrui %xor3A_65, %shift_right_logical3A_71 : vector<512x512xi32>
    %or3A_73 = arith.ori %shift_left3A_69, %shift_right_logical3A_72 : vector<512x512xi32>
    %xor3A_74 = arith.xori %add3A_66, %or3A_73 : vector<512x512xi32>
    %add3A_75 = arith.addi %add3A_66, %xor3A_74 : vector<512x512xi32>
    %shift_left3A_76 = arith.constant 24 : i32
    %shift_left3A_77 = vector.broadcast %shift_left3A_76 : i32 to vector<512x512xi32>
    %shift_left3A_78 = arith.shli %xor3A_74, %shift_left3A_77 : vector<512x512xi32>
    %shift_right_logical3A_79 = arith.constant 8 : i32
    %shift_right_logical3A_80 = vector.broadcast %shift_right_logical3A_79 : i32 to vector<512x512xi32>
    %shift_right_logical3A_81 = arith.shrui %xor3A_74, %shift_right_logical3A_80 : vector<512x512xi32>
    %or3A_82 = arith.ori %shift_left3A_78, %shift_right_logical3A_81 : vector<512x512xi32>
    %xor3A_83 = arith.xori %add3A_75, %or3A_82 : vector<512x512xi32>
    %add3A_84 = arith.constant 466688987 : i32
    %add3A_85 = vector.broadcast %add3A_84 : i32 to vector<512x512xi32>
    %add3A_86 = arith.addi %add3A_75, %add3A_85 : vector<512x512xi32>
    %add3A_87 = arith.constant 2 : i32
    %add3A_88 = vector.broadcast %add3A_87 : i32 to vector<512x512xi32>
    %add3A_89 = arith.addi %xor3A_83, %add3A_88 : vector<512x512xi32>
    %add3A_90 = arith.addi %add3A_86, %add3A_89 : vector<512x512xi32>
    %shift_left3A_91 = arith.constant 13 : i32
    %shift_left3A_92 = vector.broadcast %shift_left3A_91 : i32 to vector<512x512xi32>
    %shift_left3A_93 = arith.shli %add3A_89, %shift_left3A_92 : vector<512x512xi32>
    %shift_right_logical3A_94 = arith.constant 19 : i32
    %shift_right_logical3A_95 = vector.broadcast %shift_right_logical3A_94 : i32 to vector<512x512xi32>
    %shift_right_logical3A_96 = arith.shrui %add3A_89, %shift_right_logical3A_95 : vector<512x512xi32>
    %or3A_97 = arith.ori %shift_left3A_93, %shift_right_logical3A_96 : vector<512x512xi32>
    %xor3A_98 = arith.xori %add3A_90, %or3A_97 : vector<512x512xi32>
    %add3A_99 = arith.addi %add3A_90, %xor3A_98 : vector<512x512xi32>
    %shift_left3A_100 = arith.constant 15 : i32
    %shift_left3A_101 = vector.broadcast %shift_left3A_100 : i32 to vector<512x512xi32>
    %shift_left3A_102 = arith.shli %xor3A_98, %shift_left3A_101 : vector<512x512xi32>
    %shift_right_logical3A_103 = arith.constant 17 : i32
    %shift_right_logical3A_104 = vector.broadcast %shift_right_logical3A_103 : i32 to vector<512x512xi32>
    %shift_right_logical3A_105 = arith.shrui %xor3A_98, %shift_right_logical3A_104 : vector<512x512xi32>
    %or3A_106 = arith.ori %shift_left3A_102, %shift_right_logical3A_105 : vector<512x512xi32>
    %xor3A_107 = arith.xori %add3A_99, %or3A_106 : vector<512x512xi32>
    %add3A_108 = arith.addi %add3A_99, %xor3A_107 : vector<512x512xi32>
    %shift_left3A_109 = arith.constant 26 : i32
    %shift_left3A_110 = vector.broadcast %shift_left3A_109 : i32 to vector<512x512xi32>
    %shift_left3A_111 = arith.shli %xor3A_107, %shift_left3A_110 : vector<512x512xi32>
    %shift_right_logical3A_112 = arith.constant 6 : i32
    %shift_right_logical3A_113 = vector.broadcast %shift_right_logical3A_112 : i32 to vector<512x512xi32>
    %shift_right_logical3A_114 = arith.shrui %xor3A_107, %shift_right_logical3A_113 : vector<512x512xi32>
    %or3A_115 = arith.ori %shift_left3A_111, %shift_right_logical3A_114 : vector<512x512xi32>
    %xor3A_116 = arith.xori %add3A_108, %or3A_115 : vector<512x512xi32>
    %add3A_117 = arith.addi %add3A_108, %xor3A_116 : vector<512x512xi32>
    %shift_left3A_118 = arith.constant 6 : i32
    %shift_left3A_119 = vector.broadcast %shift_left3A_118 : i32 to vector<512x512xi32>
    %shift_left3A_120 = arith.shli %xor3A_116, %shift_left3A_119 : vector<512x512xi32>
    %shift_right_logical3A_121 = arith.constant 26 : i32
    %shift_right_logical3A_122 = vector.broadcast %shift_right_logical3A_121 : i32 to vector<512x512xi32>
    %shift_right_logical3A_123 = arith.shrui %xor3A_116, %shift_right_logical3A_122 : vector<512x512xi32>
    %or3A_124 = arith.ori %shift_left3A_120, %shift_right_logical3A_123 : vector<512x512xi32>
    %xor3A_125 = arith.xori %add3A_117, %or3A_124 : vector<512x512xi32>
    %add3A_126 = arith.constant 4 : i32
    %add3A_127 = vector.broadcast %add3A_126 : i32 to vector<512x512xi32>
    %add3A_128 = arith.addi %xor3A_125, %add3A_127 : vector<512x512xi32>
    %add3A_129 = arith.addi %add3A_117, %add3A_128 : vector<512x512xi32>
    %shift_left3A_130 = arith.constant 17 : i32
    %shift_left3A_131 = vector.broadcast %shift_left3A_130 : i32 to vector<512x512xi32>
    %shift_left3A_132 = arith.shli %add3A_128, %shift_left3A_131 : vector<512x512xi32>
    %shift_right_logical3A_133 = arith.constant 15 : i32
    %shift_right_logical3A_134 = vector.broadcast %shift_right_logical3A_133 : i32 to vector<512x512xi32>
    %shift_right_logical3A_135 = arith.shrui %add3A_128, %shift_right_logical3A_134 : vector<512x512xi32>
    %or3A_136 = arith.ori %shift_left3A_132, %shift_right_logical3A_135 : vector<512x512xi32>
    %xor3A_137 = arith.xori %add3A_129, %or3A_136 : vector<512x512xi32>
    %add3A_138 = arith.addi %add3A_129, %xor3A_137 : vector<512x512xi32>
    %shift_left3A_139 = arith.constant 29 : i32
    %shift_left3A_140 = vector.broadcast %shift_left3A_139 : i32 to vector<512x512xi32>
    %shift_left3A_141 = arith.shli %xor3A_137, %shift_left3A_140 : vector<512x512xi32>
    %shift_right_logical3A_142 = arith.constant 3 : i32
    %shift_right_logical3A_143 = vector.broadcast %shift_right_logical3A_142 : i32 to vector<512x512xi32>
    %shift_right_logical3A_144 = arith.shrui %xor3A_137, %shift_right_logical3A_143 : vector<512x512xi32>
    %or3A_145 = arith.ori %shift_left3A_141, %shift_right_logical3A_144 : vector<512x512xi32>
    %xor3A_146 = arith.xori %add3A_138, %or3A_145 : vector<512x512xi32>
    %add3A_147 = arith.addi %add3A_138, %xor3A_146 : vector<512x512xi32>
    %shift_left3A_148 = arith.constant 16 : i32
    %shift_left3A_149 = vector.broadcast %shift_left3A_148 : i32 to vector<512x512xi32>
    %shift_left3A_150 = arith.shli %xor3A_146, %shift_left3A_149 : vector<512x512xi32>
    %shift_right_logical3A_151 = arith.constant 16 : i32
    %shift_right_logical3A_152 = vector.broadcast %shift_right_logical3A_151 : i32 to vector<512x512xi32>
    %shift_right_logical3A_153 = arith.shrui %xor3A_146, %shift_right_logical3A_152 : vector<512x512xi32>
    %or3A_154 = arith.ori %shift_left3A_150, %shift_right_logical3A_153 : vector<512x512xi32>
    %xor3A_155 = arith.xori %add3A_147, %or3A_154 : vector<512x512xi32>
    %add3A_156 = arith.addi %add3A_147, %xor3A_155 : vector<512x512xi32>
    %shift_left3A_157 = arith.constant 24 : i32
    %shift_left3A_158 = vector.broadcast %shift_left3A_157 : i32 to vector<512x512xi32>
    %shift_left3A_159 = arith.shli %xor3A_155, %shift_left3A_158 : vector<512x512xi32>
    %shift_right_logical3A_160 = arith.constant 8 : i32
    %shift_right_logical3A_161 = vector.broadcast %shift_right_logical3A_160 : i32 to vector<512x512xi32>
    %shift_right_logical3A_162 = arith.shrui %xor3A_155, %shift_right_logical3A_161 : vector<512x512xi32>
    %or3A_163 = arith.ori %shift_left3A_159, %shift_right_logical3A_162 : vector<512x512xi32>
    %xor3A_164 = arith.xori %add3A_156, %or3A_163 : vector<512x512xi32>
    %add3A_165 = arith.constant 1 : i32
    %add3A_166 = vector.broadcast %add3A_165 : i32 to vector<512x512xi32>
    %add3A_167 = arith.addi %add3A_156, %add3A_166 : vector<512x512xi32>
    %add3A_168 = arith.constant 466688991 : i32
    %add3A_169 = vector.broadcast %add3A_168 : i32 to vector<512x512xi32>
    %add3A_170 = arith.addi %xor3A_164, %add3A_169 : vector<512x512xi32>
    %add3A_171 = arith.addi %add3A_167, %add3A_170 : vector<512x512xi32>
    %shift_left3A_172 = arith.constant 13 : i32
    %shift_left3A_173 = vector.broadcast %shift_left3A_172 : i32 to vector<512x512xi32>
    %shift_left3A_174 = arith.shli %add3A_170, %shift_left3A_173 : vector<512x512xi32>
    %shift_right_logical3A_175 = arith.constant 19 : i32
    %shift_right_logical3A_176 = vector.broadcast %shift_right_logical3A_175 : i32 to vector<512x512xi32>
    %shift_right_logical3A_177 = arith.shrui %add3A_170, %shift_right_logical3A_176 : vector<512x512xi32>
    %or3A_178 = arith.ori %shift_left3A_174, %shift_right_logical3A_177 : vector<512x512xi32>
    %xor3A_179 = arith.xori %add3A_171, %or3A_178 : vector<512x512xi32>
    %add3A_180 = arith.addi %add3A_171, %xor3A_179 : vector<512x512xi32>
    %shift_left3A_181 = arith.constant 15 : i32
    %shift_left3A_182 = vector.broadcast %shift_left3A_181 : i32 to vector<512x512xi32>
    %shift_left3A_183 = arith.shli %xor3A_179, %shift_left3A_182 : vector<512x512xi32>
    %shift_right_logical3A_184 = arith.constant 17 : i32
    %shift_right_logical3A_185 = vector.broadcast %shift_right_logical3A_184 : i32 to vector<512x512xi32>
    %shift_right_logical3A_186 = arith.shrui %xor3A_179, %shift_right_logical3A_185 : vector<512x512xi32>
    %or3A_187 = arith.ori %shift_left3A_183, %shift_right_logical3A_186 : vector<512x512xi32>
    %xor3A_188 = arith.xori %add3A_180, %or3A_187 : vector<512x512xi32>
    %add3A_189 = arith.addi %add3A_180, %xor3A_188 : vector<512x512xi32>
    %shift_left3A_190 = arith.constant 26 : i32
    %shift_left3A_191 = vector.broadcast %shift_left3A_190 : i32 to vector<512x512xi32>
    %shift_left3A_192 = arith.shli %xor3A_188, %shift_left3A_191 : vector<512x512xi32>
    %shift_right_logical3A_193 = arith.constant 6 : i32
    %shift_right_logical3A_194 = vector.broadcast %shift_right_logical3A_193 : i32 to vector<512x512xi32>
    %shift_right_logical3A_195 = arith.shrui %xor3A_188, %shift_right_logical3A_194 : vector<512x512xi32>
    %or3A_196 = arith.ori %shift_left3A_192, %shift_right_logical3A_195 : vector<512x512xi32>
    %xor3A_197 = arith.xori %add3A_189, %or3A_196 : vector<512x512xi32>
    %add3A_198 = arith.addi %add3A_189, %xor3A_197 : vector<512x512xi32>
    %shift_left3A_199 = arith.constant 6 : i32
    %shift_left3A_200 = vector.broadcast %shift_left3A_199 : i32 to vector<512x512xi32>
    %shift_left3A_201 = arith.shli %xor3A_197, %shift_left3A_200 : vector<512x512xi32>
    %shift_right_logical3A_202 = arith.constant 26 : i32
    %shift_right_logical3A_203 = vector.broadcast %shift_right_logical3A_202 : i32 to vector<512x512xi32>
    %shift_right_logical3A_204 = arith.shrui %xor3A_197, %shift_right_logical3A_203 : vector<512x512xi32>
    %or3A_205 = arith.ori %shift_left3A_201, %shift_right_logical3A_204 : vector<512x512xi32>
    %xor3A_206 = arith.xori %add3A_198, %or3A_205 : vector<512x512xi32>
    %add3A_207 = arith.constant 466688987 : i32
    %add3A_208 = vector.broadcast %add3A_207 : i32 to vector<512x512xi32>
    %add3A_209 = arith.addi %add3A_198, %add3A_208 : vector<512x512xi32>
    %add3A_210 = arith.constant 5 : i32
    %add3A_211 = vector.broadcast %add3A_210 : i32 to vector<512x512xi32>
    %add3A_212 = arith.addi %xor3A_206, %add3A_211 : vector<512x512xi32>
    %xor3A_213 = arith.xori %add3A_209, %add3A_212 : vector<512x512xi32>
    %shift_right_logical3A_214 = arith.constant 9 : i32
    %shift_right_logical3A_215 = vector.broadcast %shift_right_logical3A_214 : i32 to vector<512x512xi32>
    %shift_right_logical3A_216 = arith.shrui %xor3A_213, %shift_right_logical3A_215 : vector<512x512xi32>
    %or3A_217 = arith.constant 1073741824 : i32
    %or3A_218 = vector.broadcast %or3A_217 : i32 to vector<512x512xi32>
    %or3A_219 = arith.ori %shift_right_logical3A_216, %or3A_218 : vector<512x512xi32>
    %bitcast3A = tpu.bitcast %or3A_219 : vector<512x512xi32> -> vector<512x512xf32>
    %sub3A = arith.constant 3.000000e+00 : f32
    %sub3A_220 = vector.broadcast %sub3A : f32 to vector<512x512xf32>
    %sub3A_221 = arith.subf %bitcast3A, %sub3A_220 : vector<512x512xf32>
    %max3A = arith.constant -0.99999994 : f32
    %max3A_222 = vector.broadcast %max3A : f32 to vector<512x512xf32>
    %max3A_223 = arith.maximumf %max3A_222, %sub3A_221 : vector<512x512xf32>
    %mul3A_224 = arith.mulf %max3A_223, %max3A_223 : vector<512x512xf32>
    %sub3A_225 = arith.constant 1.000000e+00 : f32
    %sub3A_226 = vector.broadcast %sub3A_225 : f32 to vector<512x512xf32>
    %sub3A_227 = arith.subf %sub3A_226, %mul3A_224 : vector<512x512xf32>
    %log3A = math.log %sub3A_227 : vector<512x512xf32>
    %mul3A_228 = arith.constant -1.000000e+00 : f32
    %mul3A_229 = vector.broadcast %mul3A_228 : f32 to vector<512x512xf32>
    %mul3A_230 = arith.mulf %log3A, %mul3A_229 : vector<512x512xf32>
    %sqrt3A = math.sqrt %mul3A_230 : vector<512x512xf32>
    %mul3A_231 = arith.constant -0.0187263209 : f32
    %mul3A_232 = vector.broadcast %mul3A_231 : f32 to vector<512x512xf32>
    %mul3A_233 = arith.mulf %mul3A_232, %sqrt3A : vector<512x512xf32>
    %add3A_234 = arith.constant 0.0537764393 : f32
    %add3A_235 = vector.broadcast %add3A_234 : f32 to vector<512x512xf32>
    %add3A_236 = arith.addf %add3A_235, %mul3A_233 : vector<512x512xf32>
    %mul3A_237 = arith.mulf %add3A_236, %sqrt3A : vector<512x512xf32>
    %add3A_238 = arith.constant 0.31786564 : f32
    %add3A_239 = vector.broadcast %add3A_238 : f32 to vector<512x512xf32>
    %add3A_240 = arith.addf %add3A_239, %mul3A_237 : vector<512x512xf32>
    %mul3A_241 = arith.mulf %add3A_240, %sqrt3A : vector<512x512xf32>
    %add3A_242 = arith.constant -0.0169973969 : f32
    %add3A_243 = vector.broadcast %add3A_242 : f32 to vector<512x512xf32>
    %add3A_244 = arith.addf %add3A_243, %mul3A_241 : vector<512x512xf32>
    %mul3A_245 = arith.mulf %add3A_244, %sqrt3A : vector<512x512xf32>
    %add3A_246 = arith.constant 1.25904095 : f32
    %add3A_247 = vector.broadcast %add3A_246 : f32 to vector<512x512xf32>
    %add3A_248 = arith.addf %add3A_247, %mul3A_245 : vector<512x512xf32>
    %mul3A_249 = arith.mulf %add3A_248, %max3A_223 : vector<512x512xf32>
    %get3A = arith.constant 0 : index
    %get3A_250 = arith.constant 0 : index
    %get3A_251 = vector.load %arg3[%get3A, %get3A_250] : memref<1x512xf32, #tpu.memory_space<vmem>>, vector<1x512xf32>
    %exp3A = math.exp %get3A_251 : vector<1x512xf32>
    %get3A_252 = arith.constant 0 : index
    %get3A_253 = arith.constant 0 : index
    %get3A_254 = vector.load %arg1[%get3A_252, %get3A_253] : memref<512x512xf32, #tpu.memory_space<vmem>>, vector<512x512xf32>
    %mul3A_255 = vector.broadcast %exp3A : vector<1x512xf32> to vector<512x512xf32>
    %mul3A_256 = arith.mulf %mul3A_249, %mul3A_255 : vector<512x512xf32>
    %get3A_257 = arith.constant 0 : index
    %get3A_258 = arith.constant 0 : index
    %get3A_259 = vector.load %arg2[%get3A_257, %get3A_258] : memref<1x512xf32, #tpu.memory_space<vmem>>, vector<1x512xf32>
    %add3A_260 = vector.broadcast %get3A_259 : vector<1x512xf32> to vector<512x512xf32>
    %add3A_261 = arith.addf %mul3A_256, %add3A_260 : vector<512x512xf32>
    %add3A_262 = arith.addf %get3A_254, %add3A_261 : vector<512x512xf32>
    %swap3A = arith.constant 0 : index
    %swap3A_263 = arith.constant 0 : index
    %swap3A_264 = vector.load %arg4[%swap3A, %swap3A_263] : memref<512x512xf32, #tpu.memory_space<vmem>>, vector<512x512xf32>
    tpu.vector_store %arg4[%swap3A, %swap3A_263], %add3A_262 {strides = array<i32>} : memref<512x512xf32, #tpu.memory_space<vmem>>, vector<512x512xf32>,
    return
  }
  func.func @transform_0(%arg0: i32) -> (i32, i32) {
    %add3A = arith.constant 7 : i32
    %add3A_0 = arith.addi %arg0, %add3A : i32
    %c0_i32 = arith.constant 0 : i32
    %c0_i32_1 = arith.constant 0 : i32
    return %add3A_0, %c0_i32 : i32, i32
  }
  func.func @transform_1(%arg0: i32) -> (i32, i32) {
    %c0_i32 = arith.constant 0 : i32
    %c0_i32_0 = arith.constant 0 : i32
    %c0_i32_1 = arith.constant 0 : i32
    return %c0_i32, %c0_i32_0 : i32, i32
  }
  func.func @transform_2(%arg0: i32) -> (i32, i32) {
    %c0_i32 = arith.constant 0 : i32
    %c0_i32_0 = arith.constant 0 : i32
    %c0_i32_1 = arith.constant 0 : i32
    return %c0_i32, %c0_i32_0 : i32, i32
  }
  func.func @transform_3(%arg0: i32) -> (i32, i32) {
    %add3A = arith.constant 7 : i32
    %add3A_0 = arith.addi %arg0, %add3A : i32
    %c0_i32 = arith.constant 0 : i32
    %c0_i32_1 = arith.constant 0 : i32
    return %add3A_0, %c0_i32 : i32, i32
  }
}

</mosaic_0001>

<sc_bundles>
// kernel: kernel.4.cloned.1.call-start
scs
__scs_entry_jumppad:
0x0: {  	(pc) =	sbr.rel $0x88, $3  }
0x1: {  	(tag) =	ssettag $0x0;
	lr =	simm.s32 $0x1  }
0x2: {  	[smem:$0x3F9E] =	sst lr;
	_ =	strace $0xD0000000  }
0x3: {  	_ = 	snop  }
0x4: {  	_ = 	snop  }
0x5: {  	_ = 	snop  }
0x6: {  	_ = 	snop  }
0x7: {  	_ = 	snop  }
__scs_overlays_trampoline_lowered:
0x8: {  	[smem:$0x3FAD] =	sst s0  }
0x9: {  	[smem:$0x3FAE] =	sst s1  }
0xa: {  	[smem:$0x3FAF] =	sst s2  }
0xb: {  	[smem:$0x3FB0] =	sst s3  }
0xc: {  	[smem:$0x3FB1] =	sst s4  }
0xd: {  	[smem:$0x3FB2] =	sst s5  }
0xe: {  	[smem:$0x3FB3] =	sst s6  }
0xf: {  	[smem:$0x3FB4] =	sst s7  }
0x10: {  	[smem:$0x3FB5] =	sst s8  }
0x11: {  	[smem:$0x3FB6] =	sst s9;
	s0 =	simm.s32 @!p0 $0x0  }
0x12: {  	s1 =	sld [smem:$0x3F9C];
	s0 =	simm.s32 @p0 $0x1  }
0x13: {  	[smem:$0x3FB7] =	sst s0;
	s0 =	simm.s32 @!p1 $0x0  }
0x14: {  	s2 =	sld [smem:$0x3F9B];
	s0 =	simm.s32 @p1 $0x1  }
0x15: {  	[smem:$0x3FB8] =	sst s0;
	s0 =	simm.s32 @!p2 $0x0  }
0x16: {  	s3 =	sld [smem:$0x3FDB];
	s0 =	simm.s32 @p2 $0x1  }
0x17: {  	s4 =	simm.s32 $0x1BF5;
	[smem:$0x3FBA] =	sst s0  }
0x18: {  	s0 =	sld [smem:$0x3F9D];
	_ =	swait.ge [sflag:s4], $0x0  }
0x19: {  	s7 =	sld [smem:$0x3F9E]  }
0x1a: {  	s8 =	sadd.s32 $0xFFFFE003, lr  }
0x1b: {  	s9 =	sadd.s32 $0xFFFFFEF7, lr;
	s5 =	simm.s32 $0xFFFFFFFF;
	p2 =	slt.u32 s8, $0xFFFFF086  }
0x1c: {  	p1 =	slt.u32 s9, $0xF7A;
	s5 =	simm.s32 @!p2 $0x0  }
0x1d: {  	s5 =	simm.s32 @p1 $0x1;
	p0 =	seq.s32 s7, s2  }
0x1e: {  	s7 =	smul.u32 @!p0 $0xF7A, s2;
	p2 =	seq.s32 @!p0 s5, $0x0  }
0x1f: {  	s9 =	smul.u32 $0xF7A, s1;
	s8 =	simm.s32 @!p0 $0x1BF5;
	p2 =	por !p2, p0  }
0x20: {  	[sflag:s8] =	ssyncset.s32 @!p0 $0xFFFFF086;
	s6 =	sadd.s32 @!p0 s3, s7;
	s7 =	simm.s32 @!p0 $0x108  }
0x21: {  	s3 =	sadd.s32 s3, s9;
	s6 =	sadd.s32 @!p0 $0x88, s6;
	s7 =	simm.s32 @p2 $0x1082  }
0x22: {  	[simem:s7], [sflag:s8] =	dma.local @!p0 [hbm:s6], $0xF7A  }
0x23: {  	s9 =	sor.u32 $0xD0000000, s2;
	s6 =	simm.s32 $0x108;
	_ =	swait.ge @!p0 [sflag:s8], $0x0  }
0x24: {  	s3 =	sadd.s32 $0x88, s3;
	s6 =	simm.s32 @!p1 $0x1082;
	[sflag:s4] =	ssyncset.s32 $0xFFFFF086  }
0x25: {  	[simem:s6], [sflag:s4] =	dma.local [hbm:s3], $0xF7A  }
0x26: {  	[smem:$0x3F9E] =	sst s1;
	(tag) =	ssettag s2;
	_ =	strace s9  }
0x27: {  	s1 =	sld [smem:$0x3FAE]  }
0x28: {  	s2 =	sld [smem:$0x3FAF]  }
0x29: {  	s4 =	sld [smem:$0x3FB1]  }
0x2a: {  	p0 =	seq.s32 s5, $0x0;
	s5 =	sld [smem:$0x3FB2]  }
0x2b: {  	s6 =	sld [smem:$0x3FB3]  }
0x2c: {  	s7 =	sld [smem:$0x3FB4]  }
0x2d: {  	s3 =	simm.s32 $0x108;
	s8 =	sld [smem:$0x3FB5]  }
0x2e: {  	s3 =	simm.s32 @!p0 $0x1082;
	s9 =	sld [smem:$0x3FB6]  }
0x2f: {  	lr =	sadd.s32 s0, s3;
	s0 =	sld [smem:$0x3FAD]  }
0x30: {  	s3 =	sld [smem:$0x3FB0]  }
0x31: {  	[smem:$0x3FB9] =	sst s10  }
0x32: {  	s10 =	sld [smem:$0x3FB7];
	_ =	sdelay $0x3  }
0x33: {  	p0 =	seq.s32 s10, $0x1;
	s10 =	sld [smem:$0x3FB9];
	_ =	sdelay $0x3  }
0x34: {  	[smem:$0x3FB9] =	sst s10  }
0x35: {  	s10 =	sld [smem:$0x3FB8];
	_ =	sdelay $0x3  }
0x36: {  	p1 =	seq.s32 s10, $0x1;
	s10 =	sld [smem:$0x3FB9];
	_ =	sdelay $0x3  }
0x37: {  	[smem:$0x3FB9] =	sst s10  }
0x38: {  	s10 =	sld [smem:$0x3FBA]  }
0x39: {  	_ = 	snop;
	(pc) =	sbr.ind lr, $3  }
0x3a: {  	_ = 	snop  }
0x3b: {  	_ = 	snop  }
0x3c: {  	p2 =	seq.s32 s10, $0x1;
	s10 =	sld [smem:$0x3FB9]  }
0x3d: {  	_ =	shalt  }
0x3e: {  	_ =	shalt  }
0x3f: {  	_ =	shalt  }
0x40: {  	_ =	shalt  }
0x41: {  	_ =	shalt  }
0x42: {  	_ =	shalt  }
0x43: {  	_ =	shalt  }
0x44: {  	_ =	shalt  }
0x45: {  	_ =	shalt  }
0x46: {  	_ =	shalt  }
0x47: {  	_ =	shalt  }
0x48: {  	_ =	shalt  }
0x49: {  	_ =	shalt  }
0x4a: {  	_ =	shalt  }
0x4b: {  	_ =	shalt  }
0x4c: {  	_ =	shalt  }
0x4d: {  	_ =	shalt  }
0x4e: {  	_ =	shalt  }
0x4f: {  	_ =	shalt  }
0x50: {  	_ =	shalt  }
0x51: {  	_ =	shalt  }
0x52: {  	_ =	shalt  }
0x53: {  	_ =	shalt  }
0x54: {  	_ =	shalt  }
0x55: {  	_ =	shalt  }
0x56: {  	_ =	shalt  }
0x57: {  	_ =	shalt  }
0x58: {  	_ =	shalt  }
0x59: {  	_ =	shalt  }
0x5a: {  	_ =	shalt  }
0x5b: {  	_ =	shalt  }
0x5c: {  	_ =	shalt  }
0x5d: {  	_ =	shalt  }
0x5e: {  	_ =	shalt  }
0x5f: {  	_ =	shalt  }
0x60: {  	_ =	shalt  }
0x61: {  	_ =	shalt  }
0x62: {  	_ =	shalt  }
0x63: {  	_ =	shalt  }
0x64: {  	_ =	shalt  }
0x65: {  	_ =	shalt  }
0x66: {  	_ =	shalt  }
0x67: {  	_ =	shalt  }
0x68: {  	_ =	shalt  }
0x69: {  	_ =	shalt  }
0x6a: {  	_ =	shalt  }
0x6b: {  	_ =	shalt  }
0x6c: {  	_ =	shalt  }
0x6d: {  	_ =	shalt  }
0x6e: {  	_ =	shalt  }
0x6f: {  	_ =	shalt  }
0x70: {  	_ =	shalt  }
0x71: {  	_ =	shalt  }
0x72: {  	_ =	shalt  }
0x73: {  	_ =	shalt  }
0x74: {  	_ =	shalt  }
0x75: {  	_ =	shalt  }
0x76: {  	_ =	shalt  }
0x77: {  	_ =	shalt  }
0x78: {  	_ =	shalt  }
0x79: {  	_ =	shalt  }
0x7a: {  	_ =	shalt  }
0x7b: {  	_ =	shalt  }
0x7c: {  	_ =	shalt  }
0x7d: {  	_ =	shalt  }
0x7e: {  	_ =	shalt  }
0x7f: {  	_ =	shalt  }
0x80: {  	_ =	shalt  }
0x81: {  	_ =	shalt  }
0x82: {  	_ =	shalt  }
0x83: {  	_ =	shalt  }
0x84: {  	_ =	shalt  }
0x85: {  	_ =	shalt  }
0x86: {  	_ =	shalt  }
0x87: {  	_ =	shalt  }
.Lfunc_end0:
.L_simem_size_0:
called_computation_lowered:
.L_overlay_start_0:
0x88: {  	s2 =	sld [smem:$0x3FD9]  }
0x89: {  	s3 =	sld [smem:$0x3FFE];
	_ =	sdelay $0x1  }
0x8a: {  	s1 =	srdreg.scid  }
0x8b: {  	s0 =	sand.u32 $0x1, s1  }
0x8c: {  	s17 =	sshll.u32 s0, $0xA;
	s2 =	sadd.s32 s3, s2  }
0x8d: {  	s2 =	sadd.s32 s2, s17  }
0x8e: {  	[smem:$0x3FC5] =	sst s2  }
0x8f: {  	_ = 	snop  }
0x90: {  	s2 =	sld [smem:$0x3FC9]  }
0x91: {  	s18 =	sld [smem:$0x3FC8]  }
0x92: {  	s4 =	sld [smem:$0x3FC7];
	(tm) =	ssettm $0x1  }
0x93: {  	s5 =	sld [smem:$0x3FFB];
	_ =	sdelay $0x3  }
0x94: {  	_ =	strace s5  }
0x95: {  	s5 =	sld [smem:$0x3FFC];
	_ =	sdelay $0x3  }
0x96: {  	_ =	strace s5  }
0x97: {  	s5 =	sld [smem:$0x3FFD];
	_ =	sdelay $0x3  }
0x98: {  	_ =	strace s5  }
0x99: {  	_ =	strace $0x8FFFFFFF  }
0x9a: {  	s19 =	sld [smem:$0x3FDB];
	_ =	sdelay $0x1  }
0x9b: {  	s6 =	simm.s32 $_scs_section_size  }
0x9c: {  	s7 =	simm.s32 $_size__tile_overlayer_lowered;
	s8 =	simm.s32 $_tile_overlayer_lowered  }
0x9d: {  	s22 =	simm.s32 $0x1BFF;
	s21 =	sshll.u32 s8, $0x1;
	s5 =	sadd.s32 s6, s19  }
0x9e: {  	s9 =	simm.s32 $0x0;
	s20 =	sshll.u32 s7, $0x1;
	s7 =	sadd.s32 s21, s5  }
0x9f: {  	[timem:s9], [sflag:s22] =	dma.local [hbm:s7], s20  }
0xa0: {  	_ =	swait.ge [sflag:s22], s20  }
0xa1: {  	s6 =	ssub.s32 $0x0, s20;
	[sflag:s22] =	ssyncset.done $0x0  }
0xa2: {  	[sflag:s22] =	ssyncadd.s32 s6;
	_ =	sdelay $0x1  }
0xa3: {  	s23 =	simm.s32 $0x1B8B  }
0xa4: {  	_ =	swait.ge [sflag:s23], $0x1  }
0xa5: {  	[sflag:s23] =	ssyncset.done $0x0  }
0xa6: {  	s25 =	simm.s32 $0x1B8E;
	s24 =	sld [smem:$0x3FFE];
	[sflag:s23] =	ssyncadd.s32 $0xFFFFFFFF  }
0xa7: {  	s26 =	simm.s32 $execute0_lowered;
	[smem:$0x3FD2] =	sst s25  }
0xa8: {  	s7 =	sshll.u32 s26, $0x1;
	_ =	strace $0x80000046;
	[dreg:$0x1] =	wrdreg $0xFFFFFFFF  }
0xa9: {  	s28 =	simm.s32 $_size_execute0_lowered;
	s5 =	sadd.s32 s5, s7;
	[dreg:$0x0] =	wrdreg $0x0  }
0xaa: {  	s7 =	sshll.u32 s28, $0x1;
	[dreg:$0x2] =	wrdreg s5  }
0xab: {  	[dreg:$0x3] =	wrdreg s7  }
0xac: {  	[dreg:$0x4] =	wrdreg $0xC0  }
0xad: {  	_ =	task [dreg:s9], $0x5FFFF  }
0xae: {  	[dreg:$0x1] =	wrdreg $0xFFFFFFFF  }
0xaf: {  	[dreg:$0x0] =	wrdreg $0x60  }
0xb0: {  	[dreg:$0x2] =	wrdreg s2  }
0xb1: {  	[dreg:$0x3] =	wrdreg s18  }
0xb2: {  	[dreg:$0x4] =	wrdreg s4  }
0xb3: {  	[dreg:$0x5] =	wrdreg s24  }
0xb4: {  	[dreg:$0x6] =	wrdreg $0x9  }
0xb5: {  	_ =	task.clear_ibuf [dreg:s9], $0x7FFFF;
	_ =	strace $0x90000046  }
0xb6: {  	s29 =	simm.s32 $0x9;
	_ =	strace $0x80000048  }
0xb7: {  	_ =	swait.ge [sflag:s29], $0x1  }
0xb8: {  	[sflag:s29] =	ssyncadd.s32 $0xFFFFFFFF  }
0xb9: {  	_ =	strace $0x90000048  }
0xba: {  	_ =	sfence  }
0xbb: {  	s30 =	sld [smem:$0x0];
	_ =	sdelay $0x2  }
0xbc: {  	s31 =	sshll.u32 s1, $0xD;
	s1 =	sshrl.u32 s1, $0x2  }
0xbd: {  	s3 =	sand.u32 $0x4000, s31;
	s1 =	sadd.s32 s1, s30  }
0xbe: {  	s0 =	sor.u32 s3, s0;
	s1 =	sshll.u32 s1, $0x11  }
0xbf: {  	s0 =	sor.u32 s1, s0  }
0xc0: {  	s0 =	sadd.s32 $0x8F2B, s0  }
0xc1: {  	[sflag:s0] =	ssyncadd.remote.s32 $0x1  }
0xc2: {  	_ =	sfence.sel $0xFFFF  }
0xc3: {  	[dreg:$0x0] =	wrdreg $0xFFFFFFFF;
	(pc) =	sbr.abs _section_cstart, $3  }
0xc4: {  	[dreg:$0x1] =	wrdreg $0xFFFFFFFF  }
0xc5: {  	_ =	task.clear_ibuf [dreg:s9], $0x2FFFF;
	_ =	strace $0x9FFFFFFF  }
0xc6: {  	(tm) =	ssettm $0x7FFFFFFF  }
0xc7: {  	_ =	shalt  }
tec
execute0_lowered:
.L_overlay_start_1:
0x0: {  	(tag) =	ssettag $0x1  }
0x1: {  	s5 =	rddreg [dreg:$0x0]  }
0x2: {  	s1 =	rddreg [dreg:$0x1];
	s2 =	srdreg.scid  }
0x3: {  	s0 =	stileid.u32;
	s3 =	rddreg [dreg:$0x2]  }
0x4: {  	s6 =	sand.u32 $0x1, s2;
	s28 =	sshll.u32 s0, $0x1;
	s10 =	smul.u32 $0x1C000, s0  }
0x5: {  	s7 =	rddreg [dreg:$0x3];
	s4 =	sor.u32 s6, s28;
	s12 =	smul.u32 $0xE000, s6  }
0x6: {  	s9 =	ssub.s32 $0x2, s6;
	s8 =	smul.u32 $0x1C00, s4;
	s4 =	simm.s32 $0x0  }
0x7: {  	s11 =	sshrl.u32 s9, $0x1;
	[smem:$0x7FF] =	sst s4  }
0x8: {  	s30 =	ssub.s32 s9, s11;
	s31 =	sadd.s32 s12, s10;
	s9 =	simm.s32 $0x1  }
0x9: {  	s10 =	simm.s32 $0xE000;
	s11 =	simm.s32 $0xE200;
	s12 =	simm.s32 $0x0  }
0xa: {  	_ =	strace $0x80000047;
	s29 =	sadd.s32 s8, s7;
	s5 =	sadd.s32 s5, s8  }
0xb: {  	v0 =	vlaneseq.u32;
	s7 =	smax.u32 s30, $0x1;
	s8 =	sor.u32 $0x1, s31;
	s6 =	sadd.s32 $0x800, s29  }
.LBB2_1:
0xc: {  	[tilespmem:s4], [sflag:$0x1] =	stream.linear.gather [hbm4b:s5+s4], $0xE000, $0x38;
	[tilespmem:$0xE400] =	vst v63  }
0xd: {  	_ =	swait.ge [sflag:s9], $0xE000  }
0xe: {  	[sflag:s9] =	ssyncset.done $0x0  }
0xf: {  	[sflag:s9] =	ssyncadd.s32 $0xFFFF2000  }
0x10: {  	[tilespmem:s10], [sflag:$0x1] =	stream.linear.gather [hbm4b:s1+s4], $0x200, $0x38;
	[tilespmem:$0xE400] =	vst v63  }
0x11: {  	_ =	swait.ge [sflag:s9], $0x200  }
0x12: {  	[sflag:s9] =	ssyncset.done $0x0  }
0x13: {  	[sflag:s9] =	ssyncadd.s32 $0xFFFFFE00  }
0x14: {  	[tilespmem:s11], [sflag:$0x1] =	stream.linear.gather [hbm4b:s3+s4], $0x200, $0x38;
	[tilespmem:$0xE400] =	vst v63  }
0x15: {  	_ =	swait.ge [sflag:s9], $0x200  }
0x16: {  	[sflag:s9] =	ssyncset.done $0x0  }
0x17: {  	s13 =	simm.s32 $0x0;
	s14 =	simm.s32 $0x40;
	[sflag:s9] =	ssyncadd.s32 $0xFFFFFE00  }
.LBB2_2:
0x18: {  	p0 =	sne.s32 s14, $0x7C0;
	v1 =	vld [tilespmem:s13+$0xE200];
	_ =	sdelay $0x4  }
0x19: {  	v1 =	vmul.f32 $1.442695020e+00, v1;
	_ =	sdelay $0x1  }
0x1a: {  	(erf) = vpow2.f32 v1;
	_ =	sdelay $0x5  }
.Ltmp0:
0x1b: {  	(pc) =	sbr.rel @p0 .LBB2_2-.Ltmp0, $3  }
0x1c: {  	_ =	sdelay $0x1  }
0x1d: {  	v1 =	vpop (erf)  }
0x1e: {  	[tilespmem:s13+$0xE200] =	vst v1;
	s13 =	sshra.s32 s14, $0x2;
	s14 =	sadd.s32 $0x40, s14  }
0x1f: {  	s14 =	sadd.s32 $0x0, s8  }
0x20: {  	v1 =	vadd.s32 s14, v0  }
0x21: {  	v2 =	vshrl.u32 v1, $0x13;
	v3 =	vshll.u32 v1, $0xD  }
0x22: {  	v2 =	vor.u32 v2, v3  }
0x23: {  	v2 =	vxor.u32 v1, v2  }
0x24: {  	v3 =	vshrl.u32 v2, $0x11;
	v4 =	vshll.u32 v2, $0xF  }
0x25: {  	v1 =	vadd.s32 v1, v2;
	v2 =	vor.u32 v3, v4  }
0x26: {  	v2 =	vxor.u32 v2, v1  }
0x27: {  	v3 =	vshrl.u32 v2, $0x6;
	v4 =	vshll.u32 v2, $0x1A  }
0x28: {  	v1 =	vadd.s32 v1, v2;
	v2 =	vor.u32 v3, v4  }
0x29: {  	v2 =	vxor.u32 v2, v1  }
0x2a: {  	v3 =	vshrl.u32 v2, $0x1A;
	v4 =	vshll.u32 v2, $0x6  }
0x2b: {  	v1 =	vadd.s32 v1, v2;
	v2 =	vor.u32 v3, v4  }
0x2c: {  	v2 =	vxor.u32 v2, v1  }
0x2d: {  	v2 =	vadd.s32 $0x1BD11BDC, v2  }
0x2e: {  	v1 =	vadd.s32 v2, v1;
	v3 =	vshrl.u32 v2, $0xF;
	v2 =	vshll.u32 v2, $0x11  }
0x2f: {  	v1 =	vadd.s32 $0x1, v1;
	v2 =	vor.u32 v3, v2  }
0x30: {  	v2 =	vxor.u32 v2, v1  }
0x31: {  	v3 =	vshrl.u32 v2, $0x3;
	v4 =	vshll.u32 v2, $0x1D  }
0x32: {  	v1 =	vadd.s32 v1, v2;
	v2 =	vor.u32 v3, v4  }
0x33: {  	v2 =	vxor.u32 v2, v1  }
0x34: {  	s25 =	sadd.s32 $0x10, s8;
	v3 =	vshrl.u32 v2, $0x10;
	v4 =	vshll.u32 v2, $0x10  }
0x35: {  	v1 =	vadd.s32 v1, v2;
	v2 =	vor.u32 v3, v4;
	v3 =	vadd.s32 s25, v0  }
0x36: {  	v2 =	vxor.u32 v2, v1;
	v4 =	vshrl.u32 v3, $0x13;
	v5 =	vshll.u32 v3, $0xD  }
0x37: {  	v6 =	vshrl.u32 v2, $0x8;
	v4 =	vor.u32 v4, v5  }
0x38: {  	v5 =	vshll.u32 v2, $0x18;
	v1 =	vadd.s32 v1, v2;
	v2 =	vxor.u32 v3, v4  }
0x39: {  	v4 =	vor.u32 v6, v5;
	v5 =	vshrl.u32 v2, $0x11;
	v6 =	vshll.u32 v2, $0xF  }
0x3a: {  	v4 =	vxor.u32 v4, v1;
	v2 =	vadd.s32 v3, v2;
	v3 =	vor.u32 v5, v6  }
0x3b: {  	v4 =	vadd.s32 $0x2, v4;
	v3 =	vxor.u32 v3, v2  }
0x3c: {  	v1 =	vadd.s32 v4, v1;
	v5 =	vshrl.u32 v3, $0x6;
	v6 =	vshll.u32 v3, $0x1A  }
0x3d: {  	v7 =	vshrl.u32 v4, $0x13;
	v2 =	vadd.s32 v2, v3;
	v3 =	vor.u32 v5, v6  }
0x3e: {  	v4 =	vshll.u32 v4, $0xD;
	v1 =	vadd.s32 $0x1BD11BDB, v1;
	v3 =	vxor.u32 v3, v2  }
0x3f: {  	v4 =	vor.u32 v7, v4;
	v5 =	vshrl.u32 v3, $0x1A;
	v6 =	vshll.u32 v3, $0x6  }
0x40: {  	v4 =	vxor.u32 v4, v1;
	v2 =	vadd.s32 v2, v3;
	v3 =	vor.u32 v5, v6  }
0x41: {  	v5 =	vshrl.u32 v4, $0x11;
	v6 =	vshll.u32 v4, $0xF;
	v3 =	vxor.u32 v3, v2  }
0x42: {  	v1 =	vadd.s32 v1, v4;
	v4 =	vor.u32 v5, v6;
	v3 =	vadd.s32 $0x1BD11BDC, v3  }
0x43: {  	v2 =	vadd.s32 v3, v2;
	v5 =	vshrl.u32 v3, $0xF;
	v3 =	vshll.u32 v3, $0x11  }
0x44: {  	v4 =	vxor.u32 v4, v1;
	v2 =	vadd.s32 $0x1, v2;
	v3 =	vor.u32 v5, v3  }
0x45: {  	v6 =	vshll.u32 v4, $0x1A;
	v1 =	vadd.s32 v1, v4;
	v3 =	vxor.u32 v3, v2  }
0x46: {  	v5 =	vshrl.u32 v4, $0x6;
	v4 =	vshrl.u32 v3, $0x3;
	v7 =	vshll.u32 v3, $0x1D  }
0x47: {  	v5 =	vor.u32 v5, v6;
	v2 =	vadd.s32 v2, v3;
	v3 =	vor.u32 v4, v7  }
0x48: {  	v4 =	vxor.u32 v5, v1;
	v3 =	vxor.u32 v3, v2  }
0x49: {  	v5 =	vshrl.u32 v4, $0x1A;
	v6 =	vshrl.u32 v3, $0x10;
	v7 =	vshll.u32 v3, $0x10  }
0x4a: {  	v8 =	vshll.u32 v4, $0x6;
	v2 =	vadd.s32 v2, v3;
	v3 =	vor.u32 v6, v7  }
0x4b: {  	v1 =	vadd.s32 v1, v4;
	v4 =	vor.u32 v5, v8;
	v3 =	vxor.u32 v3, v2  }
0x4c: {  	v4 =	vxor.u32 v4, v1;
	v5 =	vshrl.u32 v3, $0x8;
	v6 =	vshll.u32 v3, $0x18  }
0x4d: {  	v4 =	vadd.s32 $0x4, v4;
	v2 =	vadd.s32 v2, v3;
	v3 =	vor.u32 v5, v6  }
0x4e: {  	v1 =	vadd.s32 v1, v4;
	v3 =	vxor.u32 v3, v2  }
0x4f: {  	v5 =	vshrl.u32 v4, $0xF;
	v6 =	vshll.u32 v4, $0x11;
	v3 =	vadd.s32 $0x2, v3  }
0x50: {  	v2 =	vadd.s32 v3, v2;
	v4 =	vshrl.u32 v3, $0x13;
	v3 =	vshll.u32 v3, $0xD  }
0x51: {  	v5 =	vor.u32 v5, v6;
	v2 =	vadd.s32 $0x1BD11BDB, v2;
	v3 =	vor.u32 v4, v3  }
0x52: {  	v4 =	vxor.u32 v5, v1;
	v3 =	vxor.u32 v3, v2  }
0x53: {  	v5 =	vshrl.u32 v4, $0x3;
	v6 =	vshrl.u32 v3, $0x11;
	v7 =	vshll.u32 v3, $0xF  }
0x54: {  	v8 =	vshll.u32 v4, $0x1D;
	v2 =	vadd.s32 v2, v3;
	v3 =	vor.u32 v6, v7  }
0x55: {  	v1 =	vadd.s32 v1, v4;
	v4 =	vor.u32 v5, v8;
	v3 =	vxor.u32 v3, v2  }
0x56: {  	v4 =	vxor.u32 v4, v1;
	v5 =	vshrl.u32 v3, $0x6;
	v6 =	vshll.u32 v3, $0x1A  }
0x57: {  	v7 =	vshrl.u32 v4, $0x10;
	v2 =	vadd.s32 v2, v3;
	v3 =	vor.u32 v5, v6  }
0x58: {  	s26 =	sadd.s32 $0x20, s8;
	v1 =	vadd.s32 v1, v4;
	v5 =	vshll.u32 v4, $0x10;
	v3 =	vxor.u32 v3, v2  }
0x59: {  	v4 =	vor.u32 v7, v5;
	v7 =	vadd.s32 s26, v0;
	v5 =	vshrl.u32 v3, $0x1A  }
0x5a: {  	v6 =	vshll.u32 v3, $0x6;
	v4 =	vxor.u32 v4, v1;
	v2 =	vadd.s32 v2, v3  }
0x5b: {  	v8 =	vshrl.u32 v7, $0x13;
	v9 =	vshll.u32 v7, $0xD;
	v3 =	vor.u32 v5, v6  }
0x5c: {  	v5 =	vshll.u32 v4, $0x18;
	v6 =	vshrl.u32 v4, $0x8;
	v1 =	vadd.s32 v1, v4  }
0x5d: {  	v8 =	vor.u32 v8, v9;
	v3 =	vxor.u32 v3, v2;
	v4 =	vor.u32 v6, v5  }
0x5e: {  	v8 =	vxor.u32 v7, v8;
	v3 =	vadd.s32 $0x4, v3;
	v4 =	vxor.u32 v4, v1  }
0x5f: {  	v9 =	vshrl.u32 v8, $0x11;
	v5 =	vshrl.u32 v3, $0xF;
	v6 =	vshll.u32 v3, $0x11  }
0x60: {  	v4 =	vadd.s32 $0x1BD11BDF, v4;
	v2 =	vadd.s32 v2, v3;
	v3 =	vor.u32 v5, v6  }
0x61: {  	v5 =	vshll.u32 v4, $0xD;
	v6 =	vshrl.u32 v4, $0x13;
	v1 =	vadd.s32 v4, v1  }
0x62: {  	v3 =	vxor.u32 v3, v2;
	v4 =	vor.u32 v6, v5;
	v1 =	vadd.s32 $0x1, v1  }
0x63: {  	v7 =	vadd.s32 v7, v8;
	v5 =	vshrl.u32 v3, $0x3;
	v4 =	vxor.u32 v4, v1  }
0x64: {  	v6 =	vshll.u32 v3, $0x1D;
	v10 =	vshrl.u32 v4, $0x11;
	v11 =	vshll.u32 v4, $0xF  }
0x65: {  	v2 =	vadd.s32 v2, v3;
	v1 =	vadd.s32 v1, v4;
	v4 =	vor.u32 v10, v11  }
0x66: {  	v5 =	vor.u32 v5, v6;
	v10 =	vshll.u32 v8, $0xF;
	v4 =	vxor.u32 v4, v1  }
0x67: {  	v8 =	vor.u32 v9, v10;
	v11 =	vshrl.u32 v4, $0x6;
	v9 =	vshll.u32 v4, $0x1A  }
0x68: {  	v1 =	vadd.s32 v1, v4;
	v4 =	vxor.u32 v8, v7;
	v8 =	vor.u32 v11, v9  }
0x69: {  	v9 =	vshrl.u32 v4, $0x6;
	v10 =	vshll.u32 v4, $0x1A;
	v8 =	vxor.u32 v8, v1  }
0x6a: {  	v4 =	vadd.s32 v7, v4;
	v7 =	vor.u32 v9, v10;
	v9 =	vshrl.u32 v8, $0x1A  }
0x6b: {  	v10 =	vshll.u32 v8, $0x6;
	v7 =	vxor.u32 v7, v4;
	v1 =	vadd.s32 v1, v8  }
0x6c: {  	v8 =	vshrl.u32 v7, $0x1A;
	v11 =	vshll.u32 v7, $0x6;
	v9 =	vor.u32 v9, v10  }
0x6d: {  	v6 =	vld [tilespmem:s13+$0xE200];
	v4 =	vadd.s32 v4, v7;
	v7 =	vor.u32 v8, v11;
	v3 =	vxor.u32 v9, v1  }
0x6e: {  	v1 =	vadd.s32 $0x1BD11BDB, v1;
	v7 =	vxor.u32 v7, v4;
	v3 =	vadd.s32 $0x5, v3  }
0x6f: {  	v5 =	vxor.u32 v5, v2;
	v7 =	vadd.s32 $0x1BD11BDC, v7;
	v1 =	vxor.u32 v1, v3  }
0x70: {  	v4 =	vadd.s32 v7, v4;
	v8 =	vshrl.u32 v7, $0xF;
	v7 =	vshll.u32 v7, $0x11  }
0x71: {  	v1 =	vshrl.u32 v1, $0x9;
	v3 =	vadd.s32 $0x1, v4;
	v4 =	vor.u32 v8, v7  }
0x72: {  	v6 =	vmul.f32 $1.442695020e+00, v6;
	v1 =	vor.u32 $0x40000000, v1;
	v4 =	vxor.u32 v4, v3  }
0x73: {  	v1 =	vadd.f32 $-3.000000000e+00, v1;
	v7 =	vshrl.u32 v4, $0x3;
	v8 =	vshll.u32 v4, $0x1D  }
0x74: {  	v2 =	vadd.s32 v2, v5;
	v3 =	vadd.s32 v3, v4;
	v4 =	vor.u32 v7, v8  }
0x75: {  	(erf) = vpow2.f32 v6;
	v1 =	vmax.f32 v1, $-9.999999400e-01;
	v4 =	vxor.u32 v4, v3  }
0x76: {  	v9 =	vmul.f32 v1, v1;
	v7 =	vshrl.u32 v4, $0x10;
	v8 =	vshll.u32 v4, $0x10  }
0x77: {  	v11 =	vshll.u32 v5, $0x10;
	v3 =	vadd.s32 v3, v4;
	v4 =	vor.u32 v7, v8  }
0x78: {  	v7 =	vshrl.u32 v5, $0x10;
	v8 =	vsub.f32 $1.000000000e+00, v9;
	v4 =	vxor.u32 v4, v3  }
0x79: {  	v7 =	vor.u32 v7, v11;
	v9 =	vshrl.u32 v4, $0x8;
	v10 =	vshll.u32 v4, $0x18  }
0x7a: {  	v3 =	vadd.s32 v3, v4;
	v5 =	vand.u32 $0x7FFFFF, v8;
	v4 =	vor.u32 v9, v10  }
0x7b: {  	v6 =	vxor.u32 v7, v2;
	v5 =	vor.u32 $0x3F800000, v5;
	v4 =	vxor.u32 v4, v3  }
0x7c: {  	v8 =	vshrl.u32 v8, $0x17;
	v10 =	vmul.f32 $-3.010224740e-02, v5;
	v4 =	vadd.s32 $0x2, v4  }
0x7d: {  	v3 =	vadd.s32 v4, v3;
	v9 =	vshrl.u32 v4, $0x13;
	v4 =	vshll.u32 v4, $0xD  }
0x7e: {  	v7 =	vadd.f32 $2.806291580e-01, v10;
	v3 =	vadd.s32 $0x1BD11BDB, v3;
	v4 =	vor.u32 v9, v4  }
0x7f: {  	v11 =	vshll.u32 v6, $0x18;
	v2 =	vadd.s32 v2, v6;
	v4 =	vxor.u32 v4, v3  }
0x80: {  	v7 =	vmul.f32 v5, v7;
	v9 =	vshrl.u32 v4, $0x11;
	v10 =	vshll.u32 v4, $0xF  }
0x81: {  	v8 =	vcvt.s32.f32 v8;
	v3 =	vadd.s32 v3, v4;
	v4 =	vor.u32 v9, v10  }
0x82: {  	v9 =	vshrl.u32 v6, $0x8;
	v7 =	vadd.f32 $-1.104796530e+00, v7;
	v4 =	vxor.u32 v4, v3  }
0x83: {  	v8 =	vmul.f32 $-6.931471820e-01, v8;
	v6 =	vor.u32 v9, v11;
	v10 =	vshrl.u32 v4, $0x6  }
0x84: {  	v12 =	vshll.u32 v4, $0x1A;
	v7 =	vmul.f32 v5, v7;
	v6 =	vxor.u32 v6, v2  }
0x85: {  	v3 =	vadd.s32 v3, v4;
	v4 =	vor.u32 v10, v12;
	v6 =	vadd.s32 $0x1BD11BDF, v6  }
0x86: {  	v4 =	vxor.u32 v4, v3;
	v7 =	vadd.f32 $2.420793060e+00, v7;
	v2 =	vadd.s32 v6, v2  }
0x87: {  	v9 =	vshrl.u32 v4, $0x1A;
	v10 =	vshll.u32 v4, $0x6;
	v3 =	vadd.s32 v3, v4  }
0x88: {  	v2 =	vadd.s32 $0x1, v2;
	v4 =	vor.u32 v9, v10;
	v7 =	vmul.f32 v5, v7  }
0x89: {  	v9 =	vshll.u32 v6, $0xD;
	v6 =	vshrl.u32 v6, $0x13;
	v4 =	vxor.u32 v4, v3  }
0x8a: {  	v6 =	vor.u32 v6, v9;
	v4 =	vadd.s32 $0x4, v4;
	v7 =	vadd.f32 $-3.498211860e+00, v7  }
0x8b: {  	v6 =	vxor.u32 v6, v2;
	v10 =	vshrl.u32 v4, $0xF;
	v11 =	vshll.u32 v4, $0x11  }
0x8c: {  	s30 =	sadd.s32 $0x30, s8;
	v3 =	vadd.s32 v3, v4;
	v2 =	vadd.s32 v2, v6;
	v4 =	vor.u32 v10, v11  }
0x8d: {  	v5 =	vmul.f32 v5, v7;
	v7 =	vadd.s32 s30, v0;
	v4 =	vxor.u32 v4, v3  }
0x8e: {  	v12 =	vshll.u32 v7, $0xD;
	v9 =	vshrl.u32 v4, $0x3;
	v10 =	vshll.u32 v4, $0x1D  }
0x8f: {  	v3 =	vadd.s32 v3, v4;
	v5 =	vadd.f32 $8.996135710e+01, v5;
	v4 =	vor.u32 v9, v10  }
0x90: {  	v9 =	vshrl.u32 v6, $0x11;
	v10 =	vshll.u32 v6, $0xF;
	v6 =	vshrl.u32 v7, $0x13  }
0x91: {  	v4 =	vxor.u32 v4, v3;
	v9 =	vor.u32 v9, v10;
	v6 =	vor.u32 v6, v12  }
0x92: {  	v5 =	vadd.f32 v8, v5;
	v11 =	vshrl.u32 v4, $0x10;
	v6 =	vxor.u32 v7, v6  }
0x93: {  	v9 =	vxor.u32 v9, v2;
	v10 =	vshrl.u32 v6, $0x11;
	v12 =	vshll.u32 v6, $0xF  }
0x94: {  	v13 =	vshrl.u32 v9, $0x6;
	v6 =	vadd.s32 v7, v6;
	v7 =	vor.u32 v10, v12  }
0x95: {  	v2 =	vadd.s32 v2, v9;
	v10 =	vshll.u32 v9, $0x1A;
	v7 =	vxor.u32 v7, v6  }
0x96: {  	v9 =	vor.u32 v13, v10;
	v10 =	vshrl.u32 v7, $0x6;
	v12 =	vshll.u32 v7, $0x1A  }
0x97: {  	v9 =	vxor.u32 v9, v2;
	v6 =	vadd.s32 v6, v7;
	v7 =	vor.u32 v10, v12  }
0x98: {  	v10 =	vshrl.u32 v9, $0x1A;
	v12 =	vshll.u32 v9, $0x6;
	v7 =	vxor.u32 v7, v6  }
0x99: {  	v2 =	vadd.s32 v2, v9;
	v10 =	vor.u32 v10, v12;
	v9 =	vshrl.u32 v7, $0x1A  }
0x9a: {  	v13 =	vshll.u32 v7, $0x6;
	v6 =	vadd.s32 v6, v7;
	v8 =	vxor.u32 v10, v2  }
0x9b: {  	v2 =	vadd.s32 $0x1BD11BDB, v2;
	v7 =	vor.u32 v9, v13;
	v8 =	vadd.s32 $0x5, v8  }
0x9c: {  	v3 =	vadd.s32 v3, v4;
	v7 =	vxor.u32 v7, v6;
	v2 =	vxor.u32 v2, v8  }
0x9d: {  	v8 =	vmul.f32 $3.918459510e-08, v5;
	v7 =	vadd.s32 $0x1BD11BDC, v7;
	v2 =	vshrl.u32 v2, $0x9  }
0x9e: {  	v6 =	vadd.s32 v7, v6;
	v9 =	vshrl.u32 v7, $0xF;
	v7 =	vshll.u32 v7, $0x11  }
0x9f: {  	v2 =	vor.u32 $0x40000000, v2;
	v8 =	vadd.f32 $-1.262494380e-06, v8;
	v6 =	vadd.s32 $0x1, v6  }
0xa0: {  	v7 =	vor.u32 v9, v7;
	v9 =	vshll.u32 v4, $0x10;
	v2 =	vadd.f32 $-3.000000000e+00, v2  }
0xa1: {  	v7 =	vxor.u32 v7, v6;
	v8 =	vmul.f32 v8, v5;
	v9 =	vor.u32 v11, v9  }
0xa2: {  	v10 =	vshrl.u32 v7, $0x3;
	v12 =	vshll.u32 v7, $0x1D;
	v2 =	vmax.f32 v2, $-9.999999400e-01  }
0xa3: {  	v6 =	vadd.s32 v6, v7;
	v7 =	vor.u32 v10, v12;
	v4 =	vmul.f32 v2, v2  }
0xa4: {  	v9 =	vxor.u32 v9, v3;
	v8 =	vadd.f32 $3.134085770e-06, v8;
	v7 =	vxor.u32 v7, v6  }
0xa5: {  	v10 =	vshrl.u32 v7, $0x10;
	v12 =	vshll.u32 v7, $0x10;
	v4 =	vsub.f32 $1.000000000e+00, v4  }
0xa6: {  	v3 =	vadd.s32 v3, v9;
	v6 =	vadd.s32 v6, v7;
	v7 =	vor.u32 v10, v12  }
0xa7: {  	v8 =	vmul.f32 v8, v5;
	v7 =	vxor.u32 v7, v6;
	v10 =	vand.u32 $0x7FFFFF, v4  }
0xa8: {  	v4 =	vshrl.u32 v4, $0x17;
	v11 =	vshrl.u32 v7, $0x8;
	v12 =	vshll.u32 v7, $0x18  }
0xa9: {  	v8 =	vadd.f32 $3.271858440e-04, v8;
	v6 =	vadd.s32 v6, v7;
	v7 =	vor.u32 v11, v12  }
0xaa: {  	v10 =	vor.u32 $0x3F800000, v10;
	v4 =	vcvt.s32.f32 v4;
	v7 =	vxor.u32 v7, v6  }
0xab: {  	v11 =	vmul.f32 $-3.010224740e-02, v10;
	v12 =	vshll.u32 v9, $0x18;
	v7 =	vadd.s32 $0x2, v7  }
0xac: {  	v6 =	vadd.s32 v7, v6;
	v13 =	vshrl.u32 v7, $0x13;
	v7 =	vshll.u32 v7, $0xD  }
0xad: {  	v11 =	vadd.f32 $2.806291580e-01, v11;
	v6 =	vadd.s32 $0x1BD11BDB, v6;
	v7 =	vor.u32 v13, v7  }
0xae: {  	v8 =	vmul.f32 v8, v5;
	v4 =	vmul.f32 $-6.931471820e-01, v4;
	v7 =	vxor.u32 v7, v6  }
0xaf: {  	v11 =	vmul.f32 v10, v11;
	v14 =	vshrl.u32 v7, $0x11;
	v15 =	vshll.u32 v7, $0xF  }
0xb0: {  	v13 =	vshrl.u32 v9, $0x8;
	v6 =	vadd.s32 v6, v7;
	v7 =	vor.u32 v14, v15  }
0xb1: {  	v9 =	vor.u32 v13, v12;
	v11 =	vadd.f32 $-1.104796530e+00, v11;
	v7 =	vxor.u32 v7, v6  }
0xb2: {  	v9 =	vxor.u32 v9, v3;
	v12 =	vshrl.u32 v7, $0x6;
	v13 =	vshll.u32 v7, $0x1A  }
0xb3: {  	v11 =	vmul.f32 v10, v11;
	v6 =	vadd.s32 v6, v7;
	v7 =	vor.u32 v12, v13  }
0xb4: {  	v8 =	vadd.f32 $-4.842447120e-03, v8;
	v9 =	vadd.s32 $0x1BD11BDF, v9;
	v7 =	vxor.u32 v7, v6  }
0xb5: {  	v11 =	vadd.f32 $2.420793060e+00, v11;
	v12 =	vshrl.u32 v7, $0x1A;
	v13 =	vshll.u32 v7, $0x6  }
0xb6: {  	v3 =	vadd.s32 v9, v3;
	v6 =	vadd.s32 v6, v7;
	v7 =	vor.u32 v12, v13  }
0xb7: {  	v3 =	vadd.s32 $0x1, v3;
	v11 =	vmul.f32 v10, v11;
	v7 =	vxor.u32 v7, v6  }
0xb8: {  	v12 =	vshll.u32 v9, $0xD;
	v9 =	vshrl.u32 v9, $0x13;
	v7 =	vadd.s32 $0x4, v7  }
0xb9: {  	v11 =	vadd.f32 $-3.498211860e+00, v11;
	v13 =	vshrl.u32 v7, $0xF;
	v14 =	vshll.u32 v7, $0x11  }
0xba: {  	v9 =	vor.u32 v9, v12;
	v6 =	vadd.s32 v6, v7;
	v7 =	vor.u32 v13, v14  }
0xbb: {  	v9 =	vxor.u32 v9, v3;
	v10 =	vmul.f32 v10, v11;
	v7 =	vxor.u32 v7, v6  }
0xbc: {  	v3 =	vadd.s32 v3, v9;
	v12 =	vshrl.u32 v7, $0x3;
	v13 =	vshll.u32 v7, $0x1D  }
0xbd: {  	s31 =	sadd.s32 $0x40, s8;
	v6 =	vadd.s32 v6, v7;
	v7 =	vor.u32 v12, v13;
	v12 =	vshrl.u32 v9, $0x11  }
0xbe: {  	v13 =	vshll.u32 v9, $0xF;
	v9 =	vadd.s32 s31, v0;
	v7 =	vxor.u32 v7, v6  }
0xbf: {  	v11 =	vshrl.u32 v9, $0x13;
	v14 =	vshrl.u32 v7, $0x10;
	v15 =	vshll.u32 v7, $0x10  }
0xc0: {  	v6 =	vadd.s32 v6, v7;
	v7 =	vor.u32 v12, v13;
	v12 =	vshll.u32 v9, $0xD  }
0xc1: {  	v8 =	vmul.f32 v8, v5;
	v11 =	vor.u32 v11, v12;
	v7 =	vxor.u32 v7, v3  }
0xc2: {  	v10 =	vadd.f32 $8.996135710e+01, v10;
	v11 =	vxor.u32 v9, v11;
	v12 =	vshrl.u32 v7, $0x6  }
0xc3: {  	v13 =	vshll.u32 v7, $0x1A;
	v16 =	vshrl.u32 v11, $0x11;
	v17 =	vshll.u32 v11, $0xF  }
0xc4: {  	v3 =	vadd.s32 v3, v7;
	v7 =	vadd.s32 v9, v11;
	v9 =	vor.u32 v16, v17  }
0xc5: {  	v8 =	vadd.f32 $1.843141760e-02, v8;
	v4 =	vadd.f32 v4, v10;
	v9 =	vxor.u32 v9, v7  }
0xc6: {  	v11 =	vor.u32 v12, v13;
	v12 =	vshrl.u32 v9, $0x6;
	v13 =	vshll.u32 v9, $0x1A  }
0xc7: {  	v11 =	vxor.u32 v11, v3;
	v7 =	vadd.s32 v7, v9;
	v9 =	vor.u32 v12, v13  }
0xc8: {  	v16 =	vshrl.u32 v11, $0x1A;
	v12 =	vshll.u32 v11, $0x6;
	v9 =	vxor.u32 v9, v7  }
0xc9: {  	v3 =	vadd.s32 v3, v11;
	v11 =	vor.u32 v16, v12;
	v12 =	vshrl.u32 v9, $0x1A  }
0xca: {  	v13 =	vshll.u32 v9, $0x6;
	v7 =	vadd.s32 v7, v9;
	v10 =	vxor.u32 v11, v3  }
0xcb: {  	v3 =	vadd.s32 $0x1BD11BDB, v3;
	v9 =	vor.u32 v12, v13;
	v10 =	vadd.s32 $0x5, v10  }
0xcc: {  	v8 =	vmul.f32 v8, v5;
	v9 =	vxor.u32 v9, v7;
	v3 =	vxor.u32 v3, v10  }
0xcd: {  	v10 =	vmul.f32 $3.918459510e-08, v4;
	v9 =	vadd.s32 $0x1BD11BDC, v9;
	v3 =	vshrl.u32 v3, $0x9  }
0xce: {  	v7 =	vadd.s32 v9, v7;
	v12 =	vshrl.u32 v9, $0xF;
	v9 =	vshll.u32 v9, $0x11  }
0xcf: {  	v3 =	vor.u32 $0x40000000, v3;
	v7 =	vadd.s32 $0x1, v7;
	v9 =	vor.u32 v12, v9  }
0xd0: {  	v8 =	vadd.f32 $3.269742130e-01, v8;
	v3 =	vadd.f32 $-3.000000000e+00, v3;
	v9 =	vxor.u32 v9, v7  }
0xd1: {  	v10 =	vadd.f32 $-1.262494380e-06, v10;
	v12 =	vshrl.u32 v9, $0x3;
	v13 =	vshll.u32 v9, $0x1D  }
0xd2: {  	v3 =	vmax.f32 v3, $-9.999999400e-01;
	v7 =	vadd.s32 v7, v9;
	v9 =	vor.u32 v12, v13  }
0xd3: {  	v11 =	vor.u32 v14, v15;
	v12 =	vmul.f32 v3, v3;
	v9 =	vxor.u32 v9, v7  }
0xd4: {  	v10 =	vmul.f32 v10, v4;
	v13 =	vmul.f32 v8, v5;
	v5 =	vshrl.u32 v9, $0x10  }
0xd5: {  	v8 =	vshll.u32 v9, $0x10;
	v12 =	vsub.f32 $1.000000000e+00, v12;
	v7 =	vadd.s32 v7, v9  }
0xd6: {  	v9 =	vxor.u32 v11, v6;
	v5 =	vor.u32 v5, v8;
	v8 =	vadd.f32 $3.134085770e-06, v10  }
0xd7: {  	v6 =	vadd.s32 v6, v9;
	v5 =	vxor.u32 v5, v7;
	v10 =	vand.u32 $0x7FFFFF, v12  }
0xd8: {  	v11 =	vshrl.u32 v5, $0x8;
	v14 =	vshll.u32 v5, $0x18;
	v17 =	vor.u32 $0x3F800000, v10  }
0xd9: {  	v7 =	vadd.s32 v7, v5;
	v8 =	vmul.f32 v8, v4;
	v5 =	vor.u32 v11, v14  }
0xda: {  	v10 =	vmul.f32 $-3.010224740e-02, v17;
	v14 =	vshll.u32 v9, $0x18;
	v11 =	vxor.u32 v5, v7  }
0xdb: {  	v5 =	vshrl.u32 v12, $0x17;
	v8 =	vadd.f32 $3.271858440e-04, v8;
	v11 =	vadd.s32 $0x2, v11  }
0xdc: {  	v7 =	vadd.s32 v11, v7;
	v15 =	vshrl.u32 v11, $0x13;
	v11 =	vshll.u32 v11, $0xD  }
0xdd: {  	v10 =	vadd.f32 $2.806291580e-01, v10;
	v7 =	vadd.s32 $0x1BD11BDB, v7;
	v11 =	vor.u32 v15, v11  }
0xde: {  	v12 =	vshrl.u32 v9, $0x8;
	v8 =	vmul.f32 v8, v4;
	v9 =	vxor.u32 v11, v7  }
0xdf: {  	v10 =	vmul.f32 v17, v10;
	v11 =	vshrl.u32 v9, $0x11;
	v15 =	vshll.u32 v9, $0xF  }
0xe0: {  	v7 =	vadd.s32 v7, v9;
	v9 =	vor.u32 v11, v15  }
0xe1: {  	v8 =	vadd.f32 $-4.842447120e-03, v8;
	v10 =	vadd.f32 $-1.104796530e+00, v10;
	v9 =	vxor.u32 v9, v7  }
0xe2: {  	v11 =	vor.u32 v12, v14;
	v12 =	vshrl.u32 v9, $0x6;
	v14 =	vshll.u32 v9, $0x1A  }
0xe3: {  	v11 =	vxor.u32 v11, v6;
	v7 =	vadd.s32 v7, v9;
	v9 =	vor.u32 v12, v14  }
0xe4: {  	v10 =	vmul.f32 v17, v10;
	v11 =	vadd.s32 $0x1BD11BDF, v11;
	v9 =	vxor.u32 v9, v7  }
0xe5: {  	v12 =	vadd.s32 v11, v6;
	v6 =	vshrl.u32 v9, $0x1A;
	v14 =	vshll.u32 v9, $0x6  }
0xe6: {  	v10 =	vadd.f32 $2.420793060e+00, v10;
	v7 =	vadd.s32 v7, v9;
	v6 =	vor.u32 v6, v14  }
0xe7: {  	v8 =	vmul.f32 v8, v4;
	v9 =	vshll.u32 v11, $0xD;
	v6 =	vxor.u32 v6, v7  }
0xe8: {  	v11 =	vshrl.u32 v11, $0x13;
	v10 =	vmul.f32 v17, v10;
	v6 =	vadd.s32 $0x4, v6  }
0xe9: {  	v9 =	vor.u32 v11, v9;
	v11 =	vshrl.u32 v6, $0xF;
	v14 =	vshll.u32 v6, $0x11  }
0xea: {  	s24 =	simm.s32 $0x0;
	s22 =	simm.s32 $0x1;
	v8 =	vadd.f32 $1.843141760e-02, v8;
	v7 =	vadd.s32 v7, v6;
	v6 =	vor.u32 v11, v14  }
0xeb: {  	s21 =	simm.s32 $0x10;
	s20 =	simm.s32 $0x2;
	s18 =	simm.s32 $0x20;
	v18 =	vadd.f32 $-3.498211860e+00, v10;
	v10 =	vadd.s32 $0x1, v12;
	v11 =	vxor.u32 v6, v7  }
0xec: {  	s17 =	simm.s32 $0x3;
	s15 =	simm.s32 $0x200;
	s16 =	simm.s32 $0x30;
	v6 =	vadd.f32 $1.253476860e+00, v13;
	v13 =	vshrl.u32 v11, $0x3;
	v14 =	vshll.u32 v11, $0x1D  }
0xed: {  	s19 =	simm.s32 $0x400;
	s28 =	simm.s32 $0x5;
	s29 =	simm.s32 $0x50;
	v15 =	vxor.u32 v9, v10;
	v9 =	vpop (erf);
	v7 =	vadd.s32 v7, v11;
	v11 =	vor.u32 v13, v14  }
0xee: {  	s14 =	simm.s32 $0x4;
	s23 =	sand.u32 $0x3000, s15;
	s15 =	simm.s32 $0x40;
	v16 =	vshll.u32 v15, $0xF;
	[tilespmem:s13+$0xE200] =	vst v9;
	v9 =	vmul.f32 v17, v18;
	v13 =	vxor.u32 v11, v7  }
0xef: {  	s25 =	sand.u32 $0x3000, s24;
	s26 =	simm.s32 $0x0;
	s13 =	sand.u32 $0x3000, s19;
	v14 =	vshrl.u32 v15, $0x11;
	v11 =	vshrl.u32 v13, $0x10;
	v12 =	vshll.u32 v13, $0x10  }
.LBB2_4:
0xf0: {  	s30 =	sadd.s32 s29, s8  }
0xf1: {  	p0 =	sne.s32 s28, $0xDFF;
	v15 =	vadd.s32 v10, v15;
	v5 =	vcvt.s32.f32 v5;
	s19 =	sadd.s32 $0x200, s19;
	v17 =	vmul.f32 v8, v4;
	s31 =	smov.u32 s28  }
0xf2: {  	s28 =	sadd.s32 $0x1, s28;
	v10 =	vadd.s32 v7, v13;
	v7 =	vor.u32 v14, v16;
	v18 =	vadd.s32 s30, v0;
	s2 =	sand.u32 $0x3000, s19;
	s30 =	sshll.u32 s24, $0x4  }
0xf3: {  	s25 =	sshrl.u32 s25, $0x2;
	v14 =	vadd.f32 $8.996135710e+01, v9;
	s24 =	sshll.u32 s24, $0x2;
	v8 =	vshrl.u32 v18, $0x13;
	v13 =	vshll.u32 v18, $0xD;
	s30 =	sand.u32 $0xF000, s30  }
0xf4: {  	s0 =	sand.u32 $0x1F0, s26;
	v7 =	vxor.u32 v7, v15;
	v5 =	vmul.f32 $-6.931471820e-01, v5;
	s24 =	sand.u32 $0x380, s24;
	v8 =	vor.u32 v8, v13;
	s25 =	sor.u32 s25, s30  }
0xf5: {  	s26 =	sand.u32 $0x70, s26;
	v16 =	vshrl.u32 v7, $0x6;
	v19 =	vshll.u32 v7, $0x1A;
	v13 =	vxor.u32 v18, v8;
	s25 =	sor.u32 s24, s25;
	v9 =	vld [tilespmem:s0+$0xE200];
	s24 =	smov.u32 s22  }
0xf6: {  	v15 =	vadd.s32 v15, v7;
	s22 =	smov.u32 s20;
	s20 =	smov.u32 s17;
	v20 =	vshrl.u32 v13, $0x11;
	v21 =	vshll.u32 v13, $0xF;
	s30 =	sor.u32 s26, s25;
	v8 =	vld [tilespmem:s0+$0xE000]  }
0xf7: {  	v16 =	vor.u32 v16, v19;
	s17 =	smov.u32 s14;
	s14 =	smov.u32 s31;
	v13 =	vadd.s32 v18, v13;
	s25 =	smov.u32 s23;
	v18 =	vor.u32 v20, v21;
	v7 =	vld [tilespmem:s30+$0x0]  }
0xf8: {  	v11 =	vor.u32 v11, v12;
	v12 =	vxor.u32 v16, v15;
	s23 =	smov.u32 s13;
	s13 =	smov.u32 s2;
	s26 =	smov.u32 s21;
	v18 =	vxor.u32 v18, v13  }
0xf9: {  	s21 =	smov.u32 s18;
	s18 =	smov.u32 s16;
	s16 =	smov.u32 s15;
	v20 =	vshrl.u32 v12, $0x1A;
	v16 =	vshrl.u32 v18, $0x6;
	v19 =	vshll.u32 v18, $0x1A  }
0xfa: {  	s15 =	smov.u32 s29;
	v13 =	vadd.s32 v13, v18;
	v18 =	vshll.u32 v12, $0x6;
	v16 =	vor.u32 v16, v19  }
0xfb: {  	v12 =	vadd.s32 v15, v12;
	v15 =	vor.u32 v20, v18;
	v16 =	vxor.u32 v16, v13  }
0xfc: {  	v5 =	vadd.f32 v5, v14;
	v18 =	vshrl.u32 v16, $0x1A;
	v19 =	vshll.u32 v16, $0x6  }
0xfd: {  	v15 =	vxor.u32 v15, v12;
	v13 =	vadd.s32 v13, v16;
	v14 =	vor.u32 v18, v19  }
0xfe: {  	v12 =	vadd.s32 $0x1BD11BDB, v12;
	v15 =	vadd.s32 $0x5, v15;
	v14 =	vxor.u32 v14, v13  }
0xff: {  	v12 =	vxor.u32 v12, v15;
	v15 =	vmul.f32 $3.918459510e-08, v5;
	v14 =	vadd.s32 $0x1BD11BDC, v14  }
0x100: {  	v12 =	vshrl.u32 v12, $0x9;
	v13 =	vadd.s32 v14, v13;
	v16 =	vshrl.u32 v14, $0xF  }
0x101: {  	v12 =	vor.u32 $0x40000000, v12;
	v14 =	vshll.u32 v14, $0x11;
	v13 =	vadd.s32 $0x1, v13  }
0x102: {  	v15 =	vadd.f32 $-1.262494380e-06, v15;
	v12 =	vadd.f32 $-3.000000000e+00, v12;
	v14 =	vor.u32 v16, v14  }
0x103: {  	v6 =	vmul.f32 v6, v1;
	v1 =	vmovc v2;
	v2 =	vmovc v3;
	v16 =	vadd.f32 $3.269742130e-01, v17;
	v14 =	vxor.u32 v14, v13  }
0x104: {  	v3 =	vmax.f32 v12, $-9.999999400e-01;
	v17 =	vshrl.u32 v14, $0x3;
	v18 =	vshll.u32 v14, $0x1D  }
0x105: {  	v12 =	vadd.s32 v13, v14;
	v14 =	vmul.f32 v3, v3;
	v13 =	vor.u32 v17, v18  }
0x106: {  	v15 =	vmul.f32 v15, v5;
	v16 =	vmul.f32 v16, v4;
	v4 =	vmovc v5;
	v13 =	vxor.u32 v13, v12  }
0x107: {  	v14 =	vsub.f32 $1.000000000e+00, v14;
	v5 =	vshrl.u32 v13, $0x10;
	v17 =	vshll.u32 v13, $0x10  }
0x108: {  	v12 =	vadd.s32 v12, v13;
	v13 =	vadd.f32 $3.134085770e-06, v15;
	v5 =	vor.u32 v5, v17  }
0x109: {  	v11 =	vxor.u32 v11, v10;
	v15 =	vand.u32 $0x7FFFFF, v14;
	v5 =	vxor.u32 v5, v12  }
0x10a: {  	v19 =	vor.u32 $0x3F800000, v15;
	v17 =	vshrl.u32 v5, $0x8;
	v18 =	vshll.u32 v5, $0x18  }
0x10b: {  	v12 =	vadd.s32 v12, v5;
	v15 =	vmul.f32 $-3.010224740e-02, v19;
	v5 =	vor.u32 v17, v18  }
0x10c: {  	v18 =	vshll.u32 v11, $0x18;
	v17 =	vxor.u32 v5, v12;
	v5 =	vshrl.u32 v14, $0x17  }
0x10d: {  	v15 =	vadd.f32 $2.806291580e-01, v15;
	v14 =	vadd.s32 $0x2, v17;
	v17 =	vshrl.u32 v11, $0x8  }
0x10e: {  	v13 =	vmul.f32 v13, v4;
	v12 =	vadd.s32 v14, v12;
	v20 =	vshrl.u32 v14, $0x13  }
0x10f: {  	v14 =	vshll.u32 v14, $0xD;
	v15 =	vmul.f32 v19, v15;
	v12 =	vadd.s32 $0x1BD11BDB, v12  }
0x110: {  	v10 =	vadd.s32 v10, v11;
	v11 =	vadd.f32 $3.271858440e-04, v13;
	v14 =	vor.u32 v20, v14  }
0x111: {  	v13 =	vxor.u32 v14, v12;
	v14 =	vor.u32 v17, v18;
	v15 =	vadd.f32 $-1.104796530e+00, v15  }
0x112: {  	v11 =	vmul.f32 v11, v4;
	v17 =	vshrl.u32 v13, $0x11;
	v18 =	vshll.u32 v13, $0xF  }
0x113: {  	v12 =	vadd.s32 v12, v13;
	v13 =	vor.u32 v17, v18;
	v15 =	vmul.f32 v19, v15  }
0x114: {  	v14 =	vxor.u32 v14, v10;
	v11 =	vadd.f32 $-4.842447120e-03, v11;
	v13 =	vxor.u32 v13, v12  }
0x115: {  	v14 =	vadd.s32 $0x1BD11BDF, v14;
	v17 =	vshrl.u32 v13, $0x6;
	v18 =	vshll.u32 v13, $0x1A  }
0x116: {  	v6 =	vmul.f32 v9, v6;
	v12 =	vadd.s32 v12, v13;
	v13 =	vor.u32 v17, v18  }
0x117: {  	v10 =	vadd.s32 v14, v10;
	v9 =	vxor.u32 v13, v12;
	v13 =	vadd.f32 $2.420793060e+00, v15  }
0x118: {  	v18 =	vshll.u32 v14, $0xD;
	v15 =	vshrl.u32 v9, $0x1A;
	v17 =	vshll.u32 v9, $0x6  }
0x119: {  	v14 =	vshrl.u32 v14, $0x13;
	v9 =	vadd.s32 v12, v9;
	v12 =	vor.u32 v15, v17  }
0x11a: {  	v6 =	vadd.f32 v8, v6;
	v14 =	vor.u32 v14, v18;
	v12 =	vxor.u32 v12, v9  }
0x11b: {  	v11 =	vmul.f32 v11, v4;
	v8 =	vadd.s32 $0x4, v12;
	v12 =	vmul.f32 v19, v13  }
0x11c: {  	v7 =	vadd.f32 v6, v7;
	v13 =	vshrl.u32 v8, $0xF;
	v15 =	vshll.u32 v8, $0x11  }
0x11d: {  	v9 =	vadd.s32 v9, v8;
	v6 =	vor.u32 v13, v15;
	v17 =	vadd.f32 $-3.498211860e+00, v12  }
.Ltmp1:
0x11e: {  	v8 =	vadd.f32 $1.843141760e-02, v11;
	v12 =	vxor.u32 v6, v9;
	v6 =	vadd.f32 $1.253476860e+00, v16;
	[tilespmem:s30+$0x0] =	vst v7;
	(pc) =	sbr.rel @p0 .LBB2_4-.Ltmp1, $4  }
0x11f: {  	v10 =	vadd.s32 $0x1, v10;
	v11 =	vshrl.u32 v12, $0x3;
	v13 =	vshll.u32 v12, $0x1D  }
0x120: {  	v15 =	vxor.u32 v14, v10;
	v7 =	vadd.s32 v9, v12;
	v9 =	vor.u32 v11, v13  }
0x121: {  	v14 =	vshrl.u32 v15, $0x11;
	v16 =	vshll.u32 v15, $0xF;
	v13 =	vxor.u32 v9, v7  }
0x122: {  	s29 =	sadd.s32 $0x10, s29;
	v9 =	vmul.f32 v19, v17;
	v11 =	vshrl.u32 v13, $0x10;
	v12 =	vshll.u32 v13, $0x10  }
0x123: {  	v10 =	vadd.s32 v10, v15  }
0x124: {  	v14 =	vor.u32 v14, v16;
	v7 =	vadd.s32 v7, v13;
	v11 =	vor.u32 v11, v12  }
0x125: {  	v14 =	vxor.u32 v14, v10;
	v11 =	vxor.u32 v11, v7  }
0x126: {  	v62 =	vshrl.u32 v14, $0x6;
	v63 =	vshll.u32 v14, $0x1A;
	v10 =	vadd.s32 v10, v14  }
0x127: {  	v19 =	vshll.u32 v11, $0x18;
	v20 =	vshrl.u32 v11, $0x8;
	v16 =	vor.u32 v62, v63  }
0x128: {  	v7 =	vadd.s32 v7, v11;
	v21 =	vor.u32 v20, v19;
	v14 =	vxor.u32 v16, v10  }
0x129: {  	v11 =	vxor.u32 v21, v7;
	v17 =	vshrl.u32 v14, $0x1A;
	v18 =	vshll.u32 v14, $0x6  }
0x12a: {  	v10 =	vadd.s32 v10, v14;
	v11 =	vadd.s32 $0x1BD11BDF, v11;
	v12 =	vor.u32 v17, v18  }
0x12b: {  	v7 =	vadd.s32 v11, v7;
	v22 =	vshll.u32 v11, $0xD;
	v12 =	vxor.u32 v12, v10  }
0x12c: {  	v11 =	vshrl.u32 v11, $0x13;
	v10 =	vadd.s32 $0x1BD11BDB, v10;
	v12 =	vadd.s32 $0x5, v12  }
0x12d: {  	v11 =	vor.u32 v11, v22;
	v7 =	vadd.s32 $0x1, v7;
	v10 =	vxor.u32 v10, v12  }
0x12e: {  	v11 =	vxor.u32 v11, v7;
	v10 =	vshrl.u32 v10, $0x9  }
0x12f: {  	v23 =	vshrl.u32 v11, $0x11;
	v24 =	vshll.u32 v11, $0xF;
	v10 =	vor.u32 $0x40000000, v10  }
0x130: {  	v11 =	vadd.s32 v7, v11;
	v12 =	vor.u32 v23, v24;
	v10 =	vadd.f32 $-3.000000000e+00, v10  }
0x131: {  	v26 =	vxor.u32 v12, v11  }
0x132: {  	v28 =	vshrl.u32 v26, $0x6;
	v29 =	vshll.u32 v26, $0x1A;
	v25 =	vmax.f32 v10, $-9.999999400e-01  }
0x133: {  	v30 =	vor.u32 v28, v29;
	v10 =	vadd.s32 v11, v26;
	v27 =	vmul.f32 v25, v25  }
0x134: {  	v11 =	vxor.u32 v30, v10  }
0x135: {  	v31 =	vshrl.u32 v11, $0x1A;
	v32 =	vshll.u32 v11, $0x6;
	v12 =	vsub.f32 $1.000000000e+00, v27  }
0x136: {  	v10 =	vadd.s32 v10, v11;
	v34 =	vor.u32 v31, v32  }
0x137: {  	v11 =	vxor.u32 v34, v10;
	v33 =	vand.u32 $0x7FFFFF, v12  }
0x138: {  	v10 =	vadd.s32 $0x1BD11BDB, v10;
	v11 =	vadd.s32 $0x5, v11;
	v35 =	vor.u32 $0x3F800000, v33  }
0x139: {  	v10 =	vxor.u32 v10, v11;
	v36 =	vmul.f32 $-3.010224740e-02, v35  }
0x13a: {  	v10 =	vshrl.u32 v10, $0x9  }
0x13b: {  	v10 =	vor.u32 $0x40000000, v10;
	v37 =	vadd.f32 $2.806291580e-01, v36  }
0x13c: {  	v5 =	vcvt.s32.f32 v5;
	v10 =	vadd.f32 $-3.000000000e+00, v10  }
0x13d: {  	v11 =	vmul.f32 v35, v37  }
0x13e: {  	v9 =	vadd.f32 $8.996135710e+01, v9;
	v38 =	vmul.f32 $-6.931471820e-01, v5;
	v39 =	vmax.f32 v10, $-9.999999400e-01  }
0x13f: {  	v10 =	vmul.f32 v39, v39;
	v11 =	vadd.f32 $-1.104796530e+00, v11  }
0x140: {  	v9 =	vadd.f32 v38, v9  }
0x141: {  	v10 =	vsub.f32 $1.000000000e+00, v10;
	v11 =	vmul.f32 v35, v11  }
0x142: {  	s0 =	sand.u32 $0x1F0, s26;
	s2 =	sshll.u32 s24, $0x4;
	v41 =	vmul.f32 $3.918459510e-08, v9  }
0x143: {  	s28 =	sshll.u32 s24, $0x2;
	s25 =	sshrl.u32 s25, $0x2;
	v40 =	vld [tilespmem:s0+$0xE200];
	s2 =	sand.u32 $0xF000, s2;
	v42 =	vand.u32 $0x7FFFFF, v10;
	v11 =	vadd.f32 $2.420793060e+00, v11  }
0x144: {  	v1 =	vmul.f32 v6, v1;
	s24 =	sand.u32 $0x380, s28;
	s2 =	sor.u32 s25, s2;
	v15 =	vadd.f32 $-1.262494380e-06, v41;
	v44 =	vor.u32 $0x3F800000, v42  }
0x145: {  	s29 =	sand.u32 $0x70, s26;
	v45 =	vld [tilespmem:s0+$0xE000];
	s2 =	sor.u32 s24, s2;
	v17 =	vmul.f32 $-3.010224740e-02, v44;
	v43 =	vmul.f32 v35, v11  }
0x146: {  	v8 =	vmul.f32 v8, v4;
	s30 =	sor.u32 s29, s2;
	v15 =	vmul.f32 v15, v9  }
0x147: {  	v46 =	vld [tilespmem:s30+$0x0];
	v12 =	vshrl.u32 v12, $0x17;
	v17 =	vadd.f32 $2.806291580e-01, v17;
	v6 =	vadd.f32 $-3.498211860e+00, v43  }
0x148: {  	v1 =	vmul.f32 v40, v1;
	v15 =	vadd.f32 $3.134085770e-06, v15;
	v12 =	vcvt.s32.f32 v12  }
0x149: {  	v48 =	vmul.f32 v44, v17;
	v6 =	vmul.f32 v35, v6  }
0x14a: {  	v8 =	vadd.f32 $3.269742130e-01, v8;
	v1 =	vadd.f32 v45, v1;
	v47 =	vmul.f32 v15, v9  }
0x14b: {  	v12 =	vmul.f32 $-6.931471820e-01, v12;
	v15 =	vadd.f32 $-1.104796530e+00, v48;
	v6 =	vadd.f32 $8.996135710e+01, v6  }
0x14c: {  	v1 =	vadd.f32 v1, v46;
	v13 =	vadd.f32 $3.271858440e-04, v47  }
0x14d: {  	v50 =	vmul.f32 v44, v15;
	v6 =	vadd.f32 v12, v6  }
0x14e: {  	s31 =	sand.u32 $0x1F0, s21;
	s24 =	sshll.u32 s22, $0x4;
	v51 =	vmul.f32 v8, v4;
	[tilespmem:s30+$0x0] =	vst v1;
	v49 =	vmul.f32 v13, v9  }
0x14f: {  	s23 =	sshrl.u32 s23, $0x2;
	s25 =	sshll.u32 s22, $0x2;
	s2 =	sand.u32 $0xF000, s24;
	v53 =	vld [tilespmem:s31+$0xE200];
	v13 =	vadd.f32 $2.420793060e+00, v50;
	v1 =	vmul.f32 $3.918459510e-08, v6  }
0x150: {  	s22 =	sand.u32 $0x380, s25;
	s2 =	sor.u32 s23, s2;
	v4 =	vadd.f32 $1.253476860e+00, v51;
	v52 =	vadd.f32 $-4.842447120e-03, v49  }
0x151: {  	s26 =	sand.u32 $0x70, s21;
	s2 =	sor.u32 s22, s2;
	v54 =	vld [tilespmem:s31+$0xE000];
	v13 =	vmul.f32 v44, v13;
	v1 =	vadd.f32 $-1.262494380e-06, v1  }
0x152: {  	s28 =	sor.u32 s26, s2;
	v2 =	vmul.f32 v4, v2;
	v8 =	vmul.f32 v52, v9  }
0x153: {  	v57 =	vld [tilespmem:s28+$0x0];
	v56 =	vadd.f32 $-3.498211860e+00, v13;
	v1 =	vmul.f32 v1, v6  }
0x154: {  	v2 =	vmul.f32 v53, v2;
	v55 =	vadd.f32 $1.843141760e-02, v8;
	v10 =	vshrl.u32 v10, $0x17  }
0x155: {  	v10 =	vcvt.s32.f32 v10;
	v8 =	vmul.f32 v44, v56;
	v1 =	vadd.f32 $3.134085770e-06, v1  }
0x156: {  	v2 =	vadd.f32 v54, v2;
	v4 =	vmul.f32 v55, v9  }
0x157: {  	v10 =	vmul.f32 $-6.931471820e-01, v10;
	v8 =	vadd.f32 $8.996135710e+01, v8;
	v1 =	vmul.f32 v1, v6  }
0x158: {  	v2 =	vadd.f32 v2, v57;
	v4 =	vadd.f32 $3.269742130e-01, v4  }
0x159: {  	v8 =	vadd.f32 v10, v8;
	v1 =	vadd.f32 $3.271858440e-04, v1  }
0x15a: {  	s29 =	sshll.u32 s20, $0x4;
	s30 =	sand.u32 $0x1F0, s18;
	[tilespmem:s28+$0x0] =	vst v2;
	v4 =	vmul.f32 v4, v9  }
0x15b: {  	s13 =	sshrl.u32 s13, $0x2;
	s0 =	sand.u32 $0xF000, s29;
	s31 =	sshll.u32 s20, $0x2;
	v58 =	vld [tilespmem:s30+$0xE200];
	v2 =	vmul.f32 $3.918459510e-08, v8;
	v1 =	vmul.f32 v1, v6  }
0x15c: {  	s0 =	sor.u32 s13, s0;
	s20 =	sand.u32 $0x380, s31;
	v4 =	vadd.f32 $1.253476860e+00, v4  }
0x15d: {  	s18 =	sand.u32 $0x70, s18;
	s0 =	sor.u32 s20, s0;
	v59 =	vld [tilespmem:s30+$0xE000];
	v2 =	vadd.f32 $-1.262494380e-06, v2;
	v1 =	vadd.f32 $-4.842447120e-03, v1  }
0x15e: {  	s0 =	sor.u32 s18, s0;
	v3 =	vmul.f32 v4, v3  }
0x15f: {  	v60 =	vld [tilespmem:s0+$0x0];
	v2 =	vmul.f32 v2, v8;
	v1 =	vmul.f32 v1, v6  }
0x160: {  	v3 =	vmul.f32 v58, v3  }
0x161: {  	v2 =	vadd.f32 $3.134085770e-06, v2;
	v1 =	vadd.f32 $1.843141760e-02, v1  }
0x162: {  	v3 =	vadd.f32 v59, v3  }
0x163: {  	v2 =	vmul.f32 v2, v8;
	v1 =	vmul.f32 v1, v6  }
0x164: {  	v3 =	vadd.f32 v3, v60  }
0x165: {  	v2 =	vadd.f32 $3.271858440e-04, v2;
	v1 =	vadd.f32 $3.269742130e-01, v1  }
0x166: {  	s21 =	sadd.s32 $0x200, s19  }
0x167: {  	s24 =	sand.u32 $0x1F0, s16;
	s23 =	sshll.u32 s17, $0x4;
	s22 =	sand.u32 $0x3000, s21;
	[tilespmem:s0+$0x0] =	vst v3;
	v2 =	vmul.f32 v2, v8;
	v1 =	vmul.f32 v1, v6  }
0x168: {  	s25 =	sshll.u32 s17, $0x2;
	s13 =	sshrl.u32 s22, $0x2;
	s0 =	sand.u32 $0xF000, s23;
	v3 =	vld [tilespmem:s24+$0xE200]  }
0x169: {  	s17 =	sand.u32 $0x380, s25;
	s0 =	sor.u32 s13, s0;
	v2 =	vadd.f32 $-4.842447120e-03, v2;
	v1 =	vadd.f32 $1.253476860e+00, v1  }
0x16a: {  	s26 =	sand.u32 $0x70, s16;
	v61 =	vld [tilespmem:s24+$0xE000];
	s0 =	sor.u32 s17, s0  }
0x16b: {  	s0 =	sor.u32 s26, s0;
	v2 =	vmul.f32 v2, v8;
	v1 =	vmul.f32 v1, v25  }
0x16c: {  	v62 =	vld [tilespmem:s0+$0x0]  }
0x16d: {  	v2 =	vadd.f32 $1.843141760e-02, v2;
	v1 =	vmul.f32 v3, v1;
	_ =	sdelay $0x1  }
0x16e: {  	v2 =	vmul.f32 v2, v8;
	v1 =	vadd.f32 v61, v1;
	_ =	sdelay $0x1  }
0x16f: {  	v2 =	vadd.f32 $3.269742130e-01, v2;
	v1 =	vadd.f32 v1, v62  }
0x170: {  	s2 =	sadd.s32 $0x200, s21  }
0x171: {  	s29 =	sand.u32 $0x1F0, s15;
	s2 =	sand.u32 $0x3000, s2;
	s28 =	sshll.u32 s14, $0x4;
	v2 =	vmul.f32 v2, v8;
	[tilespmem:s0+$0x0] =	vst v1  }
0x172: {  	s2 =	sshrl.u32 s2, $0x2;
	s30 =	sshll.u32 s14, $0x2;
	s0 =	sand.u32 $0xF000, s28;
	v1 =	vld [tilespmem:s29+$0xE200]  }
0x173: {  	s14 =	sand.u32 $0x380, s30;
	v2 =	vadd.f32 $1.253476860e+00, v2;
	s0 =	sor.u32 s2, s0  }
0x174: {  	s31 =	sand.u32 $0x70, s15;
	v3 =	vld [tilespmem:s29+$0xE000];
	s0 =	sor.u32 s14, s0  }
0x175: {  	s0 =	sor.u32 s31, s0;
	v2 =	vmul.f32 v2, v39  }
0x176: {  	v63 =	vld [tilespmem:s0+$0x0]  }
0x177: {  	v1 =	vmul.f32 v1, v2;
	_ =	sdelay $0x1  }
0x178: {  	v1 =	vadd.f32 v3, v1;
	_ =	sdelay $0x1  }
0x179: {  	s12 =	sadd.s32 $0x1, s12;
	v1 =	vadd.f32 v1, v63  }
0x17a: {  	p0 =	sne.s32 s12, s7  }
.Ltmp2:
0x17b: {  	[tilespmem:s0+$0x0] =	vst v1;
	(pc) =	sbr.rel @p0 .LBB2_1-.Ltmp2, $4  }
0x17c: {  	[hbm4b:s6+s4] =	stream.linear.scatter [tilespmem:s4], [sflag:$0x1], $0xE000, $0x38;
	[tilespmem:$0xE400] =	vst v63  }
0x17d: {  	_ =	swait.ge [sflag:s9], $0xE000  }
0x17e: {  	[sflag:s9] =	ssyncset.done $0x0  }
0x17f: {  	[sflag:s9] =	ssyncadd.s32 $0xFFFF2000  }
0x180: {  	_ =	sfence.sel $0x180000  }
0x181: {  	[bflag:$0x0] =	sbarrier.arrive $0xFFFF  }
0x182: {  	_ =	strace $0x90000047  }
0x183: {  	s0 =	stileid.u32;
	[bflag:$0x2] =	sbarrier.arrive $0xFFFF  }
0x184: {  	p0 =	sne.s32 s0, $0x0;
	s0 =	rddreg [dreg:$0x4]  }
0x185: {  	s0 =	sadd.s32 @!p0 $0x100000, s0  }
0x186: {  	[sflag:s0] =	ssyncadd.tile.s32 @!p0 $0x1;
	_ =	shalt  }
.Lfunc_end2:
_tile_overlayer_lowered:
.L_overlay_start_2:
0x187: {  	(tag) =	ssettag $0x2  }
0x188: {  	s0 =	rddreg [dreg:$0x0];
	s2 =	stileid.u32  }
0x189: {  	s1 =	rddreg [dreg:$0x1];
	p0 =	sne.s32 s2, $0x0  }
0x18a: {  	s3 =	rddreg [dreg:$0x2];
	[bflag:$0x3] =	sbarrier.arrive $0xFFFF;
	s2 =	simm.s32 @!p0 $0x1C01  }
0x18b: {  	[timem:s3], [sflag:s2] =	dma.local @!p0 [hbm:s0], s1  }
0x18c: {  	s0 =	simm.s32 @!p0 $0x1  }
0x18d: {  	_ =	swait.ge @!p0 [sflag:s0], s1  }
0x18e: {  	s1 =	ssub.s32 @!p0 $0x0, s1;
	[sflag:s0] =	ssyncset.done @!p0 $0x0  }
0x18f: {  	[sflag:s0] =	ssyncadd.s32 @!p0 s1  }
0x190: {  	[bflag:$0x3] =	sbarrier.arrive $0xFFFF  }
0x191: {  	_ =	shalt  }

</sc_bundles>
